<compile_context>
chip_gen: v7x
topology: tpu7x:2x2x1
jax: 0.10.2.dev20260603
libtpu: 0.0.44.dev20260713+nightly
codegen_flags: <defaults>
</compile_context>

<pallas_src>
import functools
import jax
import jax.numpy as jnp
from jax import lax
from jax.experimental import pallas as pl
from jax.experimental.pallas import tpu as pltpu
from jax.experimental.pallas import tpu_sc as plsc

_NC = 2
_NS = 16
_NW = _NC * _NS
_CHUNK = 128


def _mesh():
    return plsc.VectorSubcoreMesh(core_axis_name="c", subcore_axis_name="s")



def _make_deg(n_pad, n_chunks):
    rows = n_pad // _NS

    @functools.partial(
        pl.kernel,
        mesh=_mesh(),
        out_type=jax.ShapeDtypeStruct((_NC * n_pad,), jnp.float32),
        scratch_types=[
            pltpu.VMEM((n_chunks, _CHUNK), jnp.int32),
            pltpu.VMEM((_CHUNK,), jnp.float32),
            pltpu.VMEM_SHARED((n_pad,), jnp.float32),
            pltpu.SemaphoreType.DMA,
        ],
    )
    def deg_kernel(dst_hbm, zeros_hbm, out_hbm, dst_v, ones_v, acc, sem):
        cid = lax.axis_index("c")
        sid = lax.axis_index("s")
        wid = cid * _NS + sid
        pltpu.sync_copy(dst_hbm.at[wid], dst_v)
        for k in range(_CHUNK // 16):
            ones_v[pl.ds(16 * k, 16)] = jnp.full((16,), 1.0, jnp.float32)
        pltpu.sync_copy(zeros_hbm, acc.at[pl.ds(sid * rows, rows)])
        plsc.subcore_barrier()

        def body(j, carry):
            pltpu.sync_copy(ones_v, acc.at[dst_v.at[j]], add=True)
            return carry

        lax.fori_loop(0, n_chunks, body, 0)
        plsc.subcore_barrier()
        pltpu.sync_copy(acc.at[pl.ds(sid * rows, rows)],
                        out_hbm.at[pl.ds(cid * n_pad + sid * rows, rows)])

    return deg_kernel



def _make_propagate(n_pad, d, n_chunks, k):
    rows = n_pad // _NS
    n_t = n_chunks // k

    @functools.partial(
        pl.kernel,
        mesh=_mesh(),
        compiler_params=pltpu.CompilerParams(use_tc_tiling_on_sc=False),
        out_type=jax.ShapeDtypeStruct((_NC, n_pad, d), jnp.float32),
        scratch_types=[
            pltpu.VMEM((n_t, k * _CHUNK), jnp.int32),
            pltpu.VMEM((n_t, k * _CHUNK), jnp.int32),
            pltpu.VMEM((k * _CHUNK, d), jnp.float32),
            pltpu.VMEM((_CHUNK, d), jnp.float32),
            pltpu.VMEM_SHARED((n_pad, d), jnp.float32),
            pltpu.SemaphoreType.DMA,
        ],
    )
    def prop_kernel(src_hbm, dst_hbm, table_hbm, out_hbm,
                    src_v, dst_v, rows_v, zbuf, acc, sem):
        cid = lax.axis_index("c")
        sid = lax.axis_index("s")
        wid = cid * _NS + sid
        pltpu.sync_copy(src_hbm.at[wid], src_v)
        pltpu.sync_copy(dst_hbm.at[wid], dst_v)

        zv = jnp.zeros((16,), jnp.float32)

        def zrow(r, carry):
            for c in range(d // 16):
                zbuf[r, pl.ds(16 * c, 16)] = zv
            return carry

        lax.fori_loop(0, _CHUNK, zrow, 0)
        for z in range(rows // _CHUNK):
            pltpu.sync_copy(zbuf, acc.at[pl.ds(sid * rows + z * _CHUNK, _CHUNK)])
        plsc.subcore_barrier()

        def body(t, carry):
            pltpu.async_copy(table_hbm.at[src_v.at[t]], rows_v, sem).wait()
            pltpu.sync_copy(rows_v, acc.at[dst_v.at[t]], add=True)
            return carry

        lax.fori_loop(0, n_t, body, 0)
        plsc.subcore_barrier()
        pltpu.sync_copy(acc.at[pl.ds(sid * rows, rows)],
                        out_hbm.at[cid, pl.ds(sid * rows, rows)])

    return prop_kernel



def _pre_body(x_ref, w_ref, degp_ref, dinv_ref, hws_ref):
    deg = degp_ref[0] + degp_ref[1] + 1.0
    dinv = lax.rsqrt(deg)
    dinv_ref[...] = dinv
    hw = jnp.dot(x_ref[...], w_ref[...], preferred_element_type=jnp.float32)
    hws_ref[...] = hw * dinv


def _layer_body(p_ref, hws_ref, dinv_ref, b_ref, w_ref, out_ref):
    dinv = dinv_ref[...]
    agg = (p_ref[0] + p_ref[1] + hws_ref[...]) * dinv + b_ref[...]
    h = jnp.where(agg > 0, agg, 0.2 * agg)
    out_ref[...] = jnp.dot(h, w_ref[...], preferred_element_type=jnp.float32) * dinv


def _final_body(p_ref, hws_ref, dinv_ref, bml_ref, eps_ref, mu_ref, lv_ref, z_ref):
    agg = (p_ref[0] + p_ref[1] + hws_ref[...]) * dinv_ref[...] + bml_ref[...]
    hl = agg.shape[1] // 2
    mu = agg[:, :hl]
    lv = agg[:, hl:]
    mu_ref[...] = mu
    lv_ref[...] = lv
    z_ref[...] = eps_ref[...] * jnp.exp(lv) + mu


def _decoder_body(zr_ref, zc_ref, out_ref):
    prod = lax.dot_general(zr_ref[...], zc_ref[...], (((1,), (1,)), ((), ())),
                           preferred_element_type=jnp.float32)
    out_ref[...] = jax.nn.sigmoid(prod)


def _row_spec(r, width):
    return pl.BlockSpec((r, width), lambda i: (i, 0))


def _full_spec(shape):
    return pl.BlockSpec(shape, lambda i: tuple(0 for _ in shape))


@jax.jit
def kernel(X, A, W1, b1, W2, b2, Wmu, bmu, Wlv, blv, eps):
    N, F_in = X.shape
    E = A.shape[1]
    H1 = W1.shape[1]
    H2 = W2.shape[1]
    L = Wmu.shape[1]

    grain = _NW * _CHUNK * 4
    ep = ((E + grain - 1) // grain) * grain
    n_chunks = ep // (_NW * _CHUNK)
    np_ = ((N + 1 + _NS * 128 - 1) // (_NS * 128)) * (_NS * 128)
    rows = np_ // _NS

    pad = jnp.full((ep - E,), N, jnp.int32)
    src = jnp.concatenate([A[0], pad]).reshape(_NW, n_chunks, _CHUNK)
    dst = jnp.concatenate([A[1], pad]).reshape(_NW, n_chunks, _CHUNK)

    def _by_k(a, k):
        return a.reshape(_NW, n_chunks // k, k * _CHUNK)

    k64, k32 = 4, 20

    zeros1 = jnp.zeros((rows,), jnp.float32)

    deg_p = _make_deg(np_, n_chunks)(dst, zeros1).reshape(_NC, np_)

    R = 2560
    grid = (np_ // R,)

    degp3 = deg_p[:, :, None]
    dinv, hws1 = pl.pallas_call(
        _pre_body,
        grid=grid,
        in_specs=[
            _row_spec(R, F_in),
            _full_spec((F_in, H1)),
            pl.BlockSpec((_NC, R, 1), lambda i: (0, i, 0)),
        ],
        out_specs=[_row_spec(R, 1), _row_spec(R, H1)],
        out_shape=[
            jax.ShapeDtypeStruct((np_, 1), jnp.float32),
            jax.ShapeDtypeStruct((np_, H1), jnp.float32),
        ],
    )(X, W1, degp3)

    prop1 = _make_propagate(np_, H1, n_chunks, k64)(
        _by_k(src, k64), _by_k(dst, k64), hws1)

    b1r = b1.reshape(1, H1)
    hws2 = pl.pallas_call(
        _layer_body,
        grid=grid,
        in_specs=[
            pl.BlockSpec((_NC, R, H1), lambda i: (0, i, 0)),
            _row_spec(R, H1),
            _row_spec(R, 1),
            _full_spec((1, H1)),
            _full_spec((H1, H2)),
        ],
        out_specs=_row_spec(R, H2),
        out_shape=jax.ShapeDtypeStruct((np_, H2), jnp.float32),
    )(prop1, hws1, dinv, b1r, W2)

    prop2 = _make_propagate(np_, H2, n_chunks, k32)(
        _by_k(src, k32), _by_k(dst, k32), hws2)

    b2r = b2.reshape(1, H2)
    Wml = jnp.concatenate([Wmu, Wlv], axis=1)
    hws3 = pl.pallas_call(
        _layer_body,
        grid=grid,
        in_specs=[
            pl.BlockSpec((_NC, R, H2), lambda i: (0, i, 0)),
            _row_spec(R, H2),
            _row_spec(R, 1),
            _full_spec((1, H2)),
            _full_spec((H2, 2 * L)),
        ],
        out_specs=_row_spec(R, 2 * L),
        out_shape=jax.ShapeDtypeStruct((np_, 2 * L), jnp.float32),
    )(prop2, hws2, dinv, b2r, Wml)

    prop3 = _make_propagate(np_, 2 * L, n_chunks, k32)(
        _by_k(src, k32), _by_k(dst, k32), hws3)

    bml = jnp.concatenate([bmu, blv]).reshape(1, 2 * L)
    mu, logvar, z = pl.pallas_call(
        _final_body,
        grid=grid,
        in_specs=[
            pl.BlockSpec((_NC, R, 2 * L), lambda i: (0, i, 0)),
            _row_spec(R, 2 * L),
            _row_spec(R, 1),
            _full_spec((1, 2 * L)),
            _row_spec(R, L),
        ],
        out_specs=[_row_spec(R, L), _row_spec(R, L), _row_spec(R, L)],
        out_shape=[
            jax.ShapeDtypeStruct((N, L), jnp.float32),
            jax.ShapeDtypeStruct((N, L), jnp.float32),
            jax.ShapeDtypeStruct((N, L), jnp.float32),
        ],
    )(prop3, hws3, dinv, bml, eps)

    BM, BN = 1024, 2048
    recon = pl.pallas_call(
        _decoder_body,
        grid=(pl.cdiv(N, BM), pl.cdiv(N, BN)),
        in_specs=[
            pl.BlockSpec((BM, L), lambda i, j: (i, 0)),
            pl.BlockSpec((BN, L), lambda i, j: (j, 0)),
        ],
        out_specs=pl.BlockSpec((BM, BN), lambda i, j: (i, j)),
        out_shape=jax.ShapeDtypeStruct((N, N), jnp.float32),
    )(z, z)

    return (recon, mu, logvar)

# --- scband reference (transcript-rebuilt; emitter-appended) ---
"""Pipeline reference for scband-gvade-75333726371975 (READ-ONLY COPY).

The authoritative reference and input builder live on the scoring server;
editing this copy changes nothing except your own understanding.
"""

import jax, jax.numpy as jnp
import numpy as np


def _gcn_conv(x, src, dst, n_nodes, W, b):
    # GCNConv with self-loops and symmetric normalization (PyG default).
    deg = jnp.zeros((n_nodes,), x.dtype).at[dst].add(1.0)
    dinv = jnp.where(deg > 0, 1.0 / jnp.sqrt(deg), 0.0)
    norm = dinv[src] * dinv[dst]
    h = x @ W
    out = jnp.zeros((n_nodes, W.shape[1]), x.dtype).at[dst].add(h[src] * norm[:, None])
    return out + b


def setup_inputs(seed: int = 0) -> dict:
    key = jax.random.key(seed)
    ks = jax.random.split(key, 16)
    N, F_IN = 10000, 128
    E = 320000
    H1, H2, L = 64, 32, 16
    X = jax.random.normal(ks[0], (N, F_IN), dtype=jnp.float32)
    A = jax.random.randint(ks[1], (2, E), 0, N, dtype=jnp.int32)
    def glorot(k, fan_in, fan_out):
        s = jnp.sqrt(6.0 / (fan_in + fan_out))
        return jax.random.uniform(k, (fan_in, fan_out), jnp.float32, -s, s)
    W1 = glorot(ks[2], F_IN, H1); b1 = jnp.zeros((H1,), jnp.float32)
    W2 = glorot(ks[3], H1, H2); b2 = jnp.zeros((H2,), jnp.float32)
    Wmu = glorot(ks[4], H2, L); bmu = jnp.zeros((L,), jnp.float32)
    Wlv = glorot(ks[5], H2, L); blv = jnp.zeros((L,), jnp.float32)
    eps = jax.random.normal(ks[6], (N, L), dtype=jnp.float32)
    return {"X": X, "A": A, "W1": W1, "b1": b1, "W2": W2, "b2": b2,
            "Wmu": Wmu, "bmu": bmu, "Wlv": Wlv, "blv": blv, "eps": eps}


def reference(X, A, W1, b1, W2, b2, Wmu, bmu, Wlv, blv, eps):
    N = X.shape[0]
    loop = jnp.arange(N, dtype=A.dtype)
    src = jnp.concatenate([A[0], loop])
    dst = jnp.concatenate([A[1], loop])
    # Encoder: two GCN layers with LeakyReLU(0.2)
    h = jax.nn.leaky_relu(_gcn_conv(X, src, dst, N, W1, b1), negative_slope=0.2)
    h = jax.nn.leaky_relu(_gcn_conv(h, src, dst, N, W2, b2), negative_slope=0.2)
    mu = _gcn_conv(h, src, dst, N, Wmu, bmu)
    logvar = _gcn_conv(h, src, dst, N, Wlv, blv)
    # reparameterize (training=True): std = exp(logvar), z = eps*std + mu
    z = eps * jnp.exp(logvar) + mu
    # InnerProductDecoder (dropout omitted for determinism)
    recon = jax.nn.sigmoid(z @ z.T)
    return (recon, mu, logvar)

if __name__ == "__main__":
    import jax
    _d = setup_inputs()
    print(jax.jit(kernel)(*tuple(_d.values())))

</pallas_src>

<mosaic_0001>
#map = affine_map<(d0, d1) -> (0, 0, 0)>
#map1 = affine_map<(d0, d1) -> (0, 0)>
module attributes {stable_mosaic.version = 14 : i64} {
  func.func @prop_kernel(%arg0: i32, %arg1: i32, %arg2: memref<32x4x2560xi32, #tpu.memory_space<hbm>>, %arg3: memref<32x4x2560xi32, #tpu.memory_space<hbm>>, %arg4: memref<10240x32xf32, #tpu.memory_space<hbm>>, %arg5: memref<2x10240x32xf32, #tpu.memory_space<hbm>>, %arg6: memref<4x2560xi32, #tpu.memory_space<vmem>>, %arg7: memref<4x2560xi32, #tpu.memory_space<vmem>>, %arg8: memref<2560x32xf32, #tpu.memory_space<vmem>>, %arg9: memref<128x32xf32, #tpu.memory_space<vmem>>, %arg10: memref<10240x32xf32, #tpu.memory_space<vmem_shared>>, %arg11: memref<!tpu.dma_semaphore, #tpu.memory_space<semaphore_mem>>) attributes {dimension_semantics = [#tpu.dimension_semantics<core_parallel>, #tpu.dimension_semantics<subcore_parallel>], iteration_bounds = array<i64: 2, 16>, scalar_prefetch = 0 : i64, scratch_operands = 6 : i64, tpu.core_type = #tpu.core_type<sc_vector_subcore>, window_params = [{transform_indices = #map}, {transform_indices = #map}, {transform_indices = #map1}, {transform_indices = #map}]} {
    %mul3A = arith.constant 16 : i32
    %mul3A_0 = arith.muli %arg0, %mul3A : i32
    %add3A = arith.addi %mul3A_0, %arg1 : i32
    "tpu.region"() ({
      %run_scoped3A = tpu.sem_alloc : memref<!tpu.dma_semaphore, #tpu.memory_space<semaphore_mem>>
      %dma_start3A = arith.constant 0 : i32
      %dma_start3A_38 = arith.constant 0 : i32
      %dma_start3A_39 = tpu.memref_slice %arg2[%add3A, %dma_start3A, %dma_start3A_38] : memref<32x4x2560xi32, #tpu.memory_space<hbm>> -> memref<1x4x2560xi32, #tpu.memory_space<hbm>>
      %dma_start3A_40 = tpu.memref_squeeze %dma_start3A_39 : memref<1x4x2560xi32, #tpu.memory_space<hbm>> -> memref<4x2560xi32, #tpu.memory_space<hbm>>
      %dma_start3A_41 = arith.constant 0 : i32
      %dma_start3A_42 = arith.constant 0 : i32
      %dma_start3A_43 = tpu.memref_slice %arg2[%add3A, %dma_start3A_41, %dma_start3A_42] : memref<32x4x2560xi32, #tpu.memory_space<hbm>> -> memref<1x4x2560xi32, #tpu.memory_space<hbm>>
      %dma_start3A_44 = tpu.memref_squeeze %dma_start3A_43 : memref<1x4x2560xi32, #tpu.memory_space<hbm>> -> memref<4x2560xi32, #tpu.memory_space<hbm>>
      tpu.enqueue_dma source(%dma_start3A_44 : memref<4x2560xi32, #tpu.memory_space<hbm>>) target(%arg6 : memref<4x2560xi32, #tpu.memory_space<vmem>>) target_semaphore(%run_scoped3A : memref<!tpu.dma_semaphore, #tpu.memory_space<semaphore_mem>>)
      %dma_wait3A = arith.constant 0 : i32
      %dma_wait3A_45 = arith.constant 0 : i32
      %dma_wait3A_46 = tpu.memref_slice %arg2[%add3A, %dma_wait3A, %dma_wait3A_45] : memref<32x4x2560xi32, #tpu.memory_space<hbm>> -> memref<1x4x2560xi32, #tpu.memory_space<hbm>>
      %dma_wait3A_47 = tpu.memref_squeeze %dma_wait3A_46 : memref<1x4x2560xi32, #tpu.memory_space<hbm>> -> memref<4x2560xi32, #tpu.memory_space<hbm>>
      %dma_wait3A_48 = arith.constant 0 : i32
      %dma_wait3A_49 = arith.constant 0 : i32
      %dma_wait3A_50 = tpu.memref_slice %arg2[%add3A, %dma_wait3A_48, %dma_wait3A_49] : memref<32x4x2560xi32, #tpu.memory_space<hbm>> -> memref<1x4x2560xi32, #tpu.memory_space<hbm>>
      %dma_wait3A_51 = tpu.memref_squeeze %dma_wait3A_50 : memref<1x4x2560xi32, #tpu.memory_space<hbm>> -> memref<4x2560xi32, #tpu.memory_space<hbm>>
      tpu.wait_dma2 semaphore(%run_scoped3A : memref<!tpu.dma_semaphore, #tpu.memory_space<semaphore_mem>>) src(%dma_wait3A_51 : memref<4x2560xi32, #tpu.memory_space<hbm>>) dst(%arg6 : memref<4x2560xi32, #tpu.memory_space<vmem>>)
      tpu.yield
    }) : () -> ()
    "tpu.region"() ({
      %run_scoped3A = tpu.sem_alloc : memref<!tpu.dma_semaphore, #tpu.memory_space<semaphore_mem>>
      %dma_start3A = arith.constant 0 : i32
      %dma_start3A_38 = arith.constant 0 : i32
      %dma_start3A_39 = tpu.memref_slice %arg3[%add3A, %dma_start3A, %dma_start3A_38] : memref<32x4x2560xi32, #tpu.memory_space<hbm>> -> memref<1x4x2560xi32, #tpu.memory_space<hbm>>
      %dma_start3A_40 = tpu.memref_squeeze %dma_start3A_39 : memref<1x4x2560xi32, #tpu.memory_space<hbm>> -> memref<4x2560xi32, #tpu.memory_space<hbm>>
      %dma_start3A_41 = arith.constant 0 : i32
      %dma_start3A_42 = arith.constant 0 : i32
      %dma_start3A_43 = tpu.memref_slice %arg3[%add3A, %dma_start3A_41, %dma_start3A_42] : memref<32x4x2560xi32, #tpu.memory_space<hbm>> -> memref<1x4x2560xi32, #tpu.memory_space<hbm>>
      %dma_start3A_44 = tpu.memref_squeeze %dma_start3A_43 : memref<1x4x2560xi32, #tpu.memory_space<hbm>> -> memref<4x2560xi32, #tpu.memory_space<hbm>>
      tpu.enqueue_dma source(%dma_start3A_44 : memref<4x2560xi32, #tpu.memory_space<hbm>>) target(%arg7 : memref<4x2560xi32, #tpu.memory_space<vmem>>) target_semaphore(%run_scoped3A : memref<!tpu.dma_semaphore, #tpu.memory_space<semaphore_mem>>)
      %dma_wait3A = arith.constant 0 : i32
      %dma_wait3A_45 = arith.constant 0 : i32
      %dma_wait3A_46 = tpu.memref_slice %arg3[%add3A, %dma_wait3A, %dma_wait3A_45] : memref<32x4x2560xi32, #tpu.memory_space<hbm>> -> memref<1x4x2560xi32, #tpu.memory_space<hbm>>
      %dma_wait3A_47 = tpu.memref_squeeze %dma_wait3A_46 : memref<1x4x2560xi32, #tpu.memory_space<hbm>> -> memref<4x2560xi32, #tpu.memory_space<hbm>>
      %dma_wait3A_48 = arith.constant 0 : i32
      %dma_wait3A_49 = arith.constant 0 : i32
      %dma_wait3A_50 = tpu.memref_slice %arg3[%add3A, %dma_wait3A_48, %dma_wait3A_49] : memref<32x4x2560xi32, #tpu.memory_space<hbm>> -> memref<1x4x2560xi32, #tpu.memory_space<hbm>>
      %dma_wait3A_51 = tpu.memref_squeeze %dma_wait3A_50 : memref<1x4x2560xi32, #tpu.memory_space<hbm>> -> memref<4x2560xi32, #tpu.memory_space<hbm>>
      tpu.wait_dma2 semaphore(%run_scoped3A : memref<!tpu.dma_semaphore, #tpu.memory_space<semaphore_mem>>) src(%dma_wait3A_51 : memref<4x2560xi32, #tpu.memory_space<hbm>>) dst(%arg7 : memref<4x2560xi32, #tpu.memory_space<vmem>>)
      tpu.yield
    }) : () -> ()
    %broadcast_in_dim3A = arith.constant 0.000000e+00 : f32
    %broadcast_in_dim3A_1 = vector.broadcast %broadcast_in_dim3A : f32 to vector<16xf32>
    %scan3A = arith.constant 0 : i32
    %scan3A_2 = arith.constant 0 : i32
    %scan3A_3 = arith.constant 128 : i32
    %scan3A_4 = arith.addi %scan3A_2, %scan3A_3 : i32
    %scan3A_5 = arith.constant 1 : i32
    scf.for %scan3A_38 = %scan3A_2 to %scan3A_4 step %scan3A_5  : i32 {
      %swap3A = arith.index_cast %scan3A_38 : i32 to index
      %swap3A_39 = arith.constant 0 : index
      %swap3A_40 = tpu.vector_load %arg9[%swap3A, %swap3A_39] {strides = array<i32>} : memref<128x32xf32, #tpu.memory_space<vmem>>, vector<1x16xf32>,
      %swap3A_41 = vector.shape_cast %swap3A_40 : vector<1x16xf32> to vector<16xf32>
      %swap3A_42 = vector.shape_cast %broadcast_in_dim3A_1 : vector<16xf32> to vector<1x16xf32>
      tpu.vector_store %arg9[%swap3A, %swap3A_39], %swap3A_42 {strides = array<i32>} : memref<128x32xf32, #tpu.memory_space<vmem>>, vector<1x16xf32>,
      %swap3A_43 = arith.index_cast %scan3A_38 : i32 to index
      %swap3A_44 = arith.constant 16 : index
      %swap3A_45 = tpu.vector_load %arg9[%swap3A_43, %swap3A_44] {strides = array<i32>} : memref<128x32xf32, #tpu.memory_space<vmem>>, vector<1x16xf32>,
      %swap3A_46 = vector.shape_cast %swap3A_45 : vector<1x16xf32> to vector<16xf32>
      %swap3A_47 = vector.shape_cast %broadcast_in_dim3A_1 : vector<16xf32> to vector<1x16xf32>
      tpu.vector_store %arg9[%swap3A_43, %swap3A_44], %swap3A_47 {strides = array<i32>} : memref<128x32xf32, #tpu.memory_space<vmem>>, vector<1x16xf32>,
    }
    %scan3A_6 = arith.constant 128 : i32
    %mul3A_7 = arith.constant 640 : i32
    %mul3A_8 = arith.muli %arg1, %mul3A_7 : i32
    %add3A_9 = arith.constant 0 : i32
    %add3A_10 = arith.addi %mul3A_8, %add3A_9 : i32
    "tpu.region"() ({
      %run_scoped3A = tpu.sem_alloc : memref<!tpu.dma_semaphore, #tpu.memory_space<semaphore_mem>>
      %dma_start3A = arith.constant 0 : i32
      %dma_start3A_38 = tpu.memref_slice %arg10[%add3A_10, %dma_start3A] : memref<10240x32xf32, #tpu.memory_space<vmem_shared>> -> memref<128x32xf32, #tpu.memory_space<vmem_shared>>
      %dma_start3A_39 = arith.constant 0 : i32
      %dma_start3A_40 = tpu.memref_slice %arg10[%add3A_10, %dma_start3A_39] : memref<10240x32xf32, #tpu.memory_space<vmem_shared>> -> memref<128x32xf32, #tpu.memory_space<vmem_shared>>
      tpu.enqueue_dma source(%arg9 : memref<128x32xf32, #tpu.memory_space<vmem>>) target(%dma_start3A_40 : memref<128x32xf32, #tpu.memory_space<vmem_shared>>) target_semaphore(%run_scoped3A : memref<!tpu.dma_semaphore, #tpu.memory_space<semaphore_mem>>)
      %dma_wait3A = arith.constant 0 : i32
      %dma_wait3A_41 = tpu.memref_slice %arg10[%add3A_10, %dma_wait3A] : memref<10240x32xf32, #tpu.memory_space<vmem_shared>> -> memref<128x32xf32, #tpu.memory_space<vmem_shared>>
      %dma_wait3A_42 = arith.constant 0 : i32
      %dma_wait3A_43 = tpu.memref_slice %arg10[%add3A_10, %dma_wait3A_42] : memref<10240x32xf32, #tpu.memory_space<vmem_shared>> -> memref<128x32xf32, #tpu.memory_space<vmem_shared>>
      tpu.wait_dma2 semaphore(%run_scoped3A : memref<!tpu.dma_semaphore, #tpu.memory_space<semaphore_mem>>) src(%arg9 : memref<128x32xf32, #tpu.memory_space<vmem>>) dst(%dma_wait3A_43 : memref<128x32xf32, #tpu.memory_space<vmem_shared>>)
      tpu.yield
    }) : () -> ()
    %mul3A_11 = arith.constant 640 : i32
    %mul3A_12 = arith.muli %arg1, %mul3A_11 : i32
    %add3A_13 = arith.constant 128 : i32
    %add3A_14 = arith.addi %mul3A_12, %add3A_13 : i32
    "tpu.region"() ({
      %run_scoped3A = tpu.sem_alloc : memref<!tpu.dma_semaphore, #tpu.memory_space<semaphore_mem>>
      %dma_start3A = arith.constant 0 : i32
      %dma_start3A_38 = tpu.memref_slice %arg10[%add3A_14, %dma_start3A] : memref<10240x32xf32, #tpu.memory_space<vmem_shared>> -> memref<128x32xf32, #tpu.memory_space<vmem_shared>>
      %dma_start3A_39 = arith.constant 0 : i32
      %dma_start3A_40 = tpu.memref_slice %arg10[%add3A_14, %dma_start3A_39] : memref<10240x32xf32, #tpu.memory_space<vmem_shared>> -> memref<128x32xf32, #tpu.memory_space<vmem_shared>>
      tpu.enqueue_dma source(%arg9 : memref<128x32xf32, #tpu.memory_space<vmem>>) target(%dma_start3A_40 : memref<128x32xf32, #tpu.memory_space<vmem_shared>>) target_semaphore(%run_scoped3A : memref<!tpu.dma_semaphore, #tpu.memory_space<semaphore_mem>>)
      %dma_wait3A = arith.constant 0 : i32
      %dma_wait3A_41 = tpu.memref_slice %arg10[%add3A_14, %dma_wait3A] : memref<10240x32xf32, #tpu.memory_space<vmem_shared>> -> memref<128x32xf32, #tpu.memory_space<vmem_shared>>
      %dma_wait3A_42 = arith.constant 0 : i32
      %dma_wait3A_43 = tpu.memref_slice %arg10[%add3A_14, %dma_wait3A_42] : memref<10240x32xf32, #tpu.memory_space<vmem_shared>> -> memref<128x32xf32, #tpu.memory_space<vmem_shared>>
      tpu.wait_dma2 semaphore(%run_scoped3A : memref<!tpu.dma_semaphore, #tpu.memory_space<semaphore_mem>>) src(%arg9 : memref<128x32xf32, #tpu.memory_space<vmem>>) dst(%dma_wait3A_43 : memref<128x32xf32, #tpu.memory_space<vmem_shared>>)
      tpu.yield
    }) : () -> ()
    %mul3A_15 = arith.constant 640 : i32
    %mul3A_16 = arith.muli %arg1, %mul3A_15 : i32
    %add3A_17 = arith.constant 256 : i32
    %add3A_18 = arith.addi %mul3A_16, %add3A_17 : i32
    "tpu.region"() ({
      %run_scoped3A = tpu.sem_alloc : memref<!tpu.dma_semaphore, #tpu.memory_space<semaphore_mem>>
      %dma_start3A = arith.constant 0 : i32
      %dma_start3A_38 = tpu.memref_slice %arg10[%add3A_18, %dma_start3A] : memref<10240x32xf32, #tpu.memory_space<vmem_shared>> -> memref<128x32xf32, #tpu.memory_space<vmem_shared>>
      %dma_start3A_39 = arith.constant 0 : i32
      %dma_start3A_40 = tpu.memref_slice %arg10[%add3A_18, %dma_start3A_39] : memref<10240x32xf32, #tpu.memory_space<vmem_shared>> -> memref<128x32xf32, #tpu.memory_space<vmem_shared>>
      tpu.enqueue_dma source(%arg9 : memref<128x32xf32, #tpu.memory_space<vmem>>) target(%dma_start3A_40 : memref<128x32xf32, #tpu.memory_space<vmem_shared>>) target_semaphore(%run_scoped3A : memref<!tpu.dma_semaphore, #tpu.memory_space<semaphore_mem>>)
      %dma_wait3A = arith.constant 0 : i32
      %dma_wait3A_41 = tpu.memref_slice %arg10[%add3A_18, %dma_wait3A] : memref<10240x32xf32, #tpu.memory_space<vmem_shared>> -> memref<128x32xf32, #tpu.memory_space<vmem_shared>>
      %dma_wait3A_42 = arith.constant 0 : i32
      %dma_wait3A_43 = tpu.memref_slice %arg10[%add3A_18, %dma_wait3A_42] : memref<10240x32xf32, #tpu.memory_space<vmem_shared>> -> memref<128x32xf32, #tpu.memory_space<vmem_shared>>
      tpu.wait_dma2 semaphore(%run_scoped3A : memref<!tpu.dma_semaphore, #tpu.memory_space<semaphore_mem>>) src(%arg9 : memref<128x32xf32, #tpu.memory_space<vmem>>) dst(%dma_wait3A_43 : memref<128x32xf32, #tpu.memory_space<vmem_shared>>)
      tpu.yield
    }) : () -> ()
    %mul3A_19 = arith.constant 640 : i32
    %mul3A_20 = arith.muli %arg1, %mul3A_19 : i32
    %add3A_21 = arith.constant 384 : i32
    %add3A_22 = arith.addi %mul3A_20, %add3A_21 : i32
    "tpu.region"() ({
      %run_scoped3A = tpu.sem_alloc : memref<!tpu.dma_semaphore, #tpu.memory_space<semaphore_mem>>
      %dma_start3A = arith.constant 0 : i32
      %dma_start3A_38 = tpu.memref_slice %arg10[%add3A_22, %dma_start3A] : memref<10240x32xf32, #tpu.memory_space<vmem_shared>> -> memref<128x32xf32, #tpu.memory_space<vmem_shared>>
      %dma_start3A_39 = arith.constant 0 : i32
      %dma_start3A_40 = tpu.memref_slice %arg10[%add3A_22, %dma_start3A_39] : memref<10240x32xf32, #tpu.memory_space<vmem_shared>> -> memref<128x32xf32, #tpu.memory_space<vmem_shared>>
      tpu.enqueue_dma source(%arg9 : memref<128x32xf32, #tpu.memory_space<vmem>>) target(%dma_start3A_40 : memref<128x32xf32, #tpu.memory_space<vmem_shared>>) target_semaphore(%run_scoped3A : memref<!tpu.dma_semaphore, #tpu.memory_space<semaphore_mem>>)
      %dma_wait3A = arith.constant 0 : i32
      %dma_wait3A_41 = tpu.memref_slice %arg10[%add3A_22, %dma_wait3A] : memref<10240x32xf32, #tpu.memory_space<vmem_shared>> -> memref<128x32xf32, #tpu.memory_space<vmem_shared>>
      %dma_wait3A_42 = arith.constant 0 : i32
      %dma_wait3A_43 = tpu.memref_slice %arg10[%add3A_22, %dma_wait3A_42] : memref<10240x32xf32, #tpu.memory_space<vmem_shared>> -> memref<128x32xf32, #tpu.memory_space<vmem_shared>>
      tpu.wait_dma2 semaphore(%run_scoped3A : memref<!tpu.dma_semaphore, #tpu.memory_space<semaphore_mem>>) src(%arg9 : memref<128x32xf32, #tpu.memory_space<vmem>>) dst(%dma_wait3A_43 : memref<128x32xf32, #tpu.memory_space<vmem_shared>>)
      tpu.yield
    }) : () -> ()
    %mul3A_23 = arith.constant 640 : i32
    %mul3A_24 = arith.muli %arg1, %mul3A_23 : i32
    %add3A_25 = arith.constant 512 : i32
    %add3A_26 = arith.addi %mul3A_24, %add3A_25 : i32
    "tpu.region"() ({
      %run_scoped3A = tpu.sem_alloc : memref<!tpu.dma_semaphore, #tpu.memory_space<semaphore_mem>>
      %dma_start3A = arith.constant 0 : i32
      %dma_start3A_38 = tpu.memref_slice %arg10[%add3A_26, %dma_start3A] : memref<10240x32xf32, #tpu.memory_space<vmem_shared>> -> memref<128x32xf32, #tpu.memory_space<vmem_shared>>
      %dma_start3A_39 = arith.constant 0 : i32
      %dma_start3A_40 = tpu.memref_slice %arg10[%add3A_26, %dma_start3A_39] : memref<10240x32xf32, #tpu.memory_space<vmem_shared>> -> memref<128x32xf32, #tpu.memory_space<vmem_shared>>
      tpu.enqueue_dma source(%arg9 : memref<128x32xf32, #tpu.memory_space<vmem>>) target(%dma_start3A_40 : memref<128x32xf32, #tpu.memory_space<vmem_shared>>) target_semaphore(%run_scoped3A : memref<!tpu.dma_semaphore, #tpu.memory_space<semaphore_mem>>)
      %dma_wait3A = arith.constant 0 : i32
      %dma_wait3A_41 = tpu.memref_slice %arg10[%add3A_26, %dma_wait3A] : memref<10240x32xf32, #tpu.memory_space<vmem_shared>> -> memref<128x32xf32, #tpu.memory_space<vmem_shared>>
      %dma_wait3A_42 = arith.constant 0 : i32
      %dma_wait3A_43 = tpu.memref_slice %arg10[%add3A_26, %dma_wait3A_42] : memref<10240x32xf32, #tpu.memory_space<vmem_shared>> -> memref<128x32xf32, #tpu.memory_space<vmem_shared>>
      tpu.wait_dma2 semaphore(%run_scoped3A : memref<!tpu.dma_semaphore, #tpu.memory_space<semaphore_mem>>) src(%arg9 : memref<128x32xf32, #tpu.memory_space<vmem>>) dst(%dma_wait3A_43 : memref<128x32xf32, #tpu.memory_space<vmem_shared>>)
      tpu.yield
    }) : () -> ()
    %barrier3A = arith.constant 0 : index
    tpu.barrier barrier_id(%barrier3A)
    %scan3A_27 = arith.constant 0 : i32
    %scan3A_28 = arith.constant 0 : i32
    %scan3A_29 = arith.constant 4 : i32
    %scan3A_30 = arith.addi %scan3A_28, %scan3A_29 : i32
    %scan3A_31 = arith.constant 1 : i32
    scf.for %scan3A_38 = %scan3A_28 to %scan3A_30 step %scan3A_31  : i32 {
      %dma_start3A = arith.constant 0 : i32
      %dma_start3A_39 = tpu.memref_slice %arg6[%scan3A_38, %dma_start3A] : memref<4x2560xi32, #tpu.memory_space<vmem>> -> memref<1x2560xi32, #tpu.memory_space<vmem>>
      %dma_start3A_40 = tpu.memref_squeeze %dma_start3A_39 : memref<1x2560xi32, #tpu.memory_space<vmem>> -> memref<2560xi32, #tpu.memory_space<vmem>>
      %dma_start3A_41 = arith.constant 0 : i32
      %dma_start3A_42 = arith.constant 0 : i32
      %dma_start3A_43 = tpu.memref_slice %arg4[%dma_start3A_41, %dma_start3A_42] : memref<10240x32xf32, #tpu.memory_space<hbm>> -> memref<10240x32xf32, #tpu.memory_space<hbm>>
      tpu.enqueue_indirect_dma source(%dma_start3A_43 : memref<10240x32xf32, #tpu.memory_space<hbm>>) target(%arg8 : memref<2560x32xf32, #tpu.memory_space<vmem>>) offsets(%dma_start3A_40 : memref<2560xi32, #tpu.memory_space<vmem>>) semaphore(%arg11 : memref<!tpu.dma_semaphore, #tpu.memory_space<semaphore_mem>>)
      %dma_wait3A = arith.constant 0 : i32
      %dma_wait3A_44 = tpu.memref_slice %arg6[%scan3A_38, %dma_wait3A] : memref<4x2560xi32, #tpu.memory_space<vmem>> -> memref<1x2560xi32, #tpu.memory_space<vmem>>
      %dma_wait3A_45 = tpu.memref_squeeze %dma_wait3A_44 : memref<1x2560xi32, #tpu.memory_space<vmem>> -> memref<2560xi32, #tpu.memory_space<vmem>>
      %dma_wait3A_46 = arith.constant 0 : i32
      %dma_wait3A_47 = arith.constant 0 : i32
      %dma_wait3A_48 = tpu.memref_slice %arg4[%dma_wait3A_46, %dma_wait3A_47] : memref<10240x32xf32, #tpu.memory_space<hbm>> -> memref<10240x32xf32, #tpu.memory_space<hbm>>
      tpu.wait_indirect_dma semaphore(%arg11 : memref<!tpu.dma_semaphore, #tpu.memory_space<semaphore_mem>>) src(%dma_wait3A_48 : memref<10240x32xf32, #tpu.memory_space<hbm>>) dst(%arg8 : memref<2560x32xf32, #tpu.memory_space<vmem>>)
      "tpu.region"() ({
        %run_scoped3A = tpu.sem_alloc : memref<!tpu.dma_semaphore, #tpu.memory_space<semaphore_mem>>
        %dma_start3A_49 = arith.constant 0 : i32
        %dma_start3A_50 = tpu.memref_slice %arg7[%scan3A_38, %dma_start3A_49] : memref<4x2560xi32, #tpu.memory_space<vmem>> -> memref<1x2560xi32, #tpu.memory_space<vmem>>
        %dma_start3A_51 = tpu.memref_squeeze %dma_start3A_50 : memref<1x2560xi32, #tpu.memory_space<vmem>> -> memref<2560xi32, #tpu.memory_space<vmem>>
        %dma_start3A_52 = arith.constant 0 : i32
        %dma_start3A_53 = arith.constant 0 : i32
        %dma_start3A_54 = tpu.memref_slice %arg10[%dma_start3A_52, %dma_start3A_53] : memref<10240x32xf32, #tpu.memory_space<vmem_shared>> -> memref<10240x32xf32, #tpu.memory_space<vmem_shared>>
        tpu.enqueue_indirect_dma source(%arg8 : memref<2560x32xf32, #tpu.memory_space<vmem>>) target(%dma_start3A_54 : memref<10240x32xf32, #tpu.memory_space<vmem_shared>>) offsets(%dma_start3A_51 : memref<2560xi32, #tpu.memory_space<vmem>>) semaphore(%run_scoped3A : memref<!tpu.dma_semaphore, #tpu.memory_space<semaphore_mem>>) {add = true}
        %dma_wait3A_55 = arith.constant 0 : i32
        %dma_wait3A_56 = tpu.memref_slice %arg7[%scan3A_38, %dma_wait3A_55] : memref<4x2560xi32, #tpu.memory_space<vmem>> -> memref<1x2560xi32, #tpu.memory_space<vmem>>
        %dma_wait3A_57 = tpu.memref_squeeze %dma_wait3A_56 : memref<1x2560xi32, #tpu.memory_space<vmem>> -> memref<2560xi32, #tpu.memory_space<vmem>>
        %dma_wait3A_58 = arith.constant 0 : i32
        %dma_wait3A_59 = arith.constant 0 : i32
        %dma_wait3A_60 = tpu.memref_slice %arg10[%dma_wait3A_58, %dma_wait3A_59] : memref<10240x32xf32, #tpu.memory_space<vmem_shared>> -> memref<10240x32xf32, #tpu.memory_space<vmem_shared>>
        tpu.wait_indirect_dma semaphore(%run_scoped3A : memref<!tpu.dma_semaphore, #tpu.memory_space<semaphore_mem>>) src(%arg8 : memref<2560x32xf32, #tpu.memory_space<vmem>>) dst(%dma_wait3A_60 : memref<10240x32xf32, #tpu.memory_space<vmem_shared>>)
        tpu.yield
      }) : () -> ()
    }
    %scan3A_32 = arith.constant 4 : i32
    %barrier3A_33 = arith.constant 0 : index
    tpu.barrier barrier_id(%barrier3A_33)
    %mul3A_34 = arith.constant 640 : i32
    %mul3A_35 = arith.muli %arg1, %mul3A_34 : i32
    %mul3A_36 = arith.constant 640 : i32
    %mul3A_37 = arith.muli %arg1, %mul3A_36 : i32
    "tpu.region"() ({
      %run_scoped3A = tpu.sem_alloc : memref<!tpu.dma_semaphore, #tpu.memory_space<semaphore_mem>>
      %dma_start3A = arith.constant 0 : i32
      %dma_start3A_38 = tpu.memref_slice %arg5[%arg0, %mul3A_37, %dma_start3A] : memref<2x10240x32xf32, #tpu.memory_space<hbm>> -> memref<1x640x32xf32, #tpu.memory_space<hbm>>
      %dma_start3A_39 = tpu.memref_squeeze %dma_start3A_38 : memref<1x640x32xf32, #tpu.memory_space<hbm>> -> memref<640x32xf32, #tpu.memory_space<hbm>>
      %dma_start3A_40 = arith.constant 0 : i32
      %dma_start3A_41 = tpu.memref_slice %arg10[%mul3A_35, %dma_start3A_40] : memref<10240x32xf32, #tpu.memory_space<vmem_shared>> -> memref<640x32xf32, #tpu.memory_space<vmem_shared>>
      tpu.enqueue_dma source(%dma_start3A_41 : memref<640x32xf32, #tpu.memory_space<vmem_shared>>) target(%dma_start3A_39 : memref<640x32xf32, #tpu.memory_space<hbm>>) target_semaphore(%run_scoped3A : memref<!tpu.dma_semaphore, #tpu.memory_space<semaphore_mem>>)
      %dma_wait3A = arith.constant 0 : i32
      %dma_wait3A_42 = tpu.memref_slice %arg5[%arg0, %mul3A_37, %dma_wait3A] : memref<2x10240x32xf32, #tpu.memory_space<hbm>> -> memref<1x640x32xf32, #tpu.memory_space<hbm>>
      %dma_wait3A_43 = tpu.memref_squeeze %dma_wait3A_42 : memref<1x640x32xf32, #tpu.memory_space<hbm>> -> memref<640x32xf32, #tpu.memory_space<hbm>>
      %dma_wait3A_44 = arith.constant 0 : i32
      %dma_wait3A_45 = tpu.memref_slice %arg10[%mul3A_35, %dma_wait3A_44] : memref<10240x32xf32, #tpu.memory_space<vmem_shared>> -> memref<640x32xf32, #tpu.memory_space<vmem_shared>>
      tpu.wait_dma2 semaphore(%run_scoped3A : memref<!tpu.dma_semaphore, #tpu.memory_space<semaphore_mem>>) src(%dma_wait3A_45 : memref<640x32xf32, #tpu.memory_space<vmem_shared>>) dst(%dma_wait3A_43 : memref<640x32xf32, #tpu.memory_space<hbm>>)
      tpu.yield
    }) : () -> ()
    return
  }
}

#map = affine_map<(d0, d1) -> (0, 0, 0)>
#map1 = affine_map<(d0, d1) -> (0)>
module attributes {stable_mosaic.version = 14 : i64} {
  func.func @deg_kernel(%arg0: i32, %arg1: i32, %arg2: memref<32x80x128xi32, #tpu.memory_space<hbm>>, %arg3: memref<640xf32, #tpu.memory_space<hbm>>, %arg4: memref<20480xf32, #tpu.memory_space<hbm>>, %arg5: memref<80x128xi32, #tpu.memory_space<vmem>>, %arg6: memref<128xf32, #tpu.memory_space<vmem>>, %arg7: memref<10240xf32, #tpu.memory_space<vmem_shared>>, %arg8: memref<!tpu.dma_semaphore, #tpu.memory_space<semaphore_mem>>) attributes {dimension_semantics = [#tpu.dimension_semantics<core_parallel>, #tpu.dimension_semantics<subcore_parallel>], iteration_bounds = array<i64: 2, 16>, scalar_prefetch = 0 : i64, scratch_operands = 4 : i64, tpu.core_type = #tpu.core_type<sc_vector_subcore>, window_params = [{transform_indices = #map}, {transform_indices = #map1}, {transform_indices = #map1}]} {
    %mul3A = arith.constant 16 : i32
    %mul3A_0 = arith.muli %arg0, %mul3A : i32
    %add3A = arith.addi %mul3A_0, %arg1 : i32
    "tpu.region"() ({
      %run_scoped3A = tpu.sem_alloc : memref<!tpu.dma_semaphore, #tpu.memory_space<semaphore_mem>>
      %dma_start3A = arith.constant 0 : i32
      %dma_start3A_62 = arith.constant 0 : i32
      %dma_start3A_63 = tpu.memref_slice %arg2[%add3A, %dma_start3A, %dma_start3A_62] : memref<32x80x128xi32, #tpu.memory_space<hbm>> -> memref<1x80x128xi32, #tpu.memory_space<hbm>>
      %dma_start3A_64 = tpu.memref_squeeze %dma_start3A_63 : memref<1x80x128xi32, #tpu.memory_space<hbm>> -> memref<80x128xi32, #tpu.memory_space<hbm>>
      %dma_start3A_65 = arith.constant 0 : i32
      %dma_start3A_66 = arith.constant 0 : i32
      %dma_start3A_67 = tpu.memref_slice %arg2[%add3A, %dma_start3A_65, %dma_start3A_66] : memref<32x80x128xi32, #tpu.memory_space<hbm>> -> memref<1x80x128xi32, #tpu.memory_space<hbm>>
      %dma_start3A_68 = tpu.memref_squeeze %dma_start3A_67 : memref<1x80x128xi32, #tpu.memory_space<hbm>> -> memref<80x128xi32, #tpu.memory_space<hbm>>
      tpu.enqueue_dma source(%dma_start3A_68 : memref<80x128xi32, #tpu.memory_space<hbm>>) target(%arg5 : memref<80x128xi32, #tpu.memory_space<vmem>>) target_semaphore(%run_scoped3A : memref<!tpu.dma_semaphore, #tpu.memory_space<semaphore_mem>>)
      %dma_wait3A = arith.constant 0 : i32
      %dma_wait3A_69 = arith.constant 0 : i32
      %dma_wait3A_70 = tpu.memref_slice %arg2[%add3A, %dma_wait3A, %dma_wait3A_69] : memref<32x80x128xi32, #tpu.memory_space<hbm>> -> memref<1x80x128xi32, #tpu.memory_space<hbm>>
      %dma_wait3A_71 = tpu.memref_squeeze %dma_wait3A_70 : memref<1x80x128xi32, #tpu.memory_space<hbm>> -> memref<80x128xi32, #tpu.memory_space<hbm>>
      %dma_wait3A_72 = arith.constant 0 : i32
      %dma_wait3A_73 = arith.constant 0 : i32
      %dma_wait3A_74 = tpu.memref_slice %arg2[%add3A, %dma_wait3A_72, %dma_wait3A_73] : memref<32x80x128xi32, #tpu.memory_space<hbm>> -> memref<1x80x128xi32, #tpu.memory_space<hbm>>
      %dma_wait3A_75 = tpu.memref_squeeze %dma_wait3A_74 : memref<1x80x128xi32, #tpu.memory_space<hbm>> -> memref<80x128xi32, #tpu.memory_space<hbm>>
      tpu.wait_dma2 semaphore(%run_scoped3A : memref<!tpu.dma_semaphore, #tpu.memory_space<semaphore_mem>>) src(%dma_wait3A_75 : memref<80x128xi32, #tpu.memory_space<hbm>>) dst(%arg5 : memref<80x128xi32, #tpu.memory_space<vmem>>)
      tpu.yield
    }) : () -> ()
    %broadcast_in_dim3A = arith.constant 1.000000e+00 : f32
    %broadcast_in_dim3A_1 = vector.broadcast %broadcast_in_dim3A : f32 to vector<16xf32>
    %swap3A = arith.constant 0 : index
    %swap3A_2 = tpu.vector_load %arg6[%swap3A] {strides = array<i32>} : memref<128xf32, #tpu.memory_space<vmem>>, vector<16xf32>,
    %swap3A_3 = vector.shape_cast %swap3A_2 : vector<16xf32> to vector<16xf32>
    %swap3A_4 = vector.shape_cast %broadcast_in_dim3A_1 : vector<16xf32> to vector<16xf32>
    tpu.vector_store %arg6[%swap3A], %swap3A_4 {strides = array<i32>} : memref<128xf32, #tpu.memory_space<vmem>>, vector<16xf32>,
    %broadcast_in_dim3A_5 = arith.constant 1.000000e+00 : f32
    %broadcast_in_dim3A_6 = vector.broadcast %broadcast_in_dim3A_5 : f32 to vector<16xf32>
    %swap3A_7 = arith.constant 16 : index
    %swap3A_8 = tpu.vector_load %arg6[%swap3A_7] {strides = array<i32>} : memref<128xf32, #tpu.memory_space<vmem>>, vector<16xf32>,
    %swap3A_9 = vector.shape_cast %swap3A_8 : vector<16xf32> to vector<16xf32>
    %swap3A_10 = vector.shape_cast %broadcast_in_dim3A_6 : vector<16xf32> to vector<16xf32>
    tpu.vector_store %arg6[%swap3A_7], %swap3A_10 {strides = array<i32>} : memref<128xf32, #tpu.memory_space<vmem>>, vector<16xf32>,
    %broadcast_in_dim3A_11 = arith.constant 1.000000e+00 : f32
    %broadcast_in_dim3A_12 = vector.broadcast %broadcast_in_dim3A_11 : f32 to vector<16xf32>
    %swap3A_13 = arith.constant 32 : index
    %swap3A_14 = tpu.vector_load %arg6[%swap3A_13] {strides = array<i32>} : memref<128xf32, #tpu.memory_space<vmem>>, vector<16xf32>,
    %swap3A_15 = vector.shape_cast %swap3A_14 : vector<16xf32> to vector<16xf32>
    %swap3A_16 = vector.shape_cast %broadcast_in_dim3A_12 : vector<16xf32> to vector<16xf32>
    tpu.vector_store %arg6[%swap3A_13], %swap3A_16 {strides = array<i32>} : memref<128xf32, #tpu.memory_space<vmem>>, vector<16xf32>,
    %broadcast_in_dim3A_17 = arith.constant 1.000000e+00 : f32
    %broadcast_in_dim3A_18 = vector.broadcast %broadcast_in_dim3A_17 : f32 to vector<16xf32>
    %swap3A_19 = arith.constant 48 : index
    %swap3A_20 = tpu.vector_load %arg6[%swap3A_19] {strides = array<i32>} : memref<128xf32, #tpu.memory_space<vmem>>, vector<16xf32>,
    %swap3A_21 = vector.shape_cast %swap3A_20 : vector<16xf32> to vector<16xf32>
    %swap3A_22 = vector.shape_cast %broadcast_in_dim3A_18 : vector<16xf32> to vector<16xf32>
    tpu.vector_store %arg6[%swap3A_19], %swap3A_22 {strides = array<i32>} : memref<128xf32, #tpu.memory_space<vmem>>, vector<16xf32>,
    %broadcast_in_dim3A_23 = arith.constant 1.000000e+00 : f32
    %broadcast_in_dim3A_24 = vector.broadcast %broadcast_in_dim3A_23 : f32 to vector<16xf32>
    %swap3A_25 = arith.constant 64 : index
    %swap3A_26 = tpu.vector_load %arg6[%swap3A_25] {strides = array<i32>} : memref<128xf32, #tpu.memory_space<vmem>>, vector<16xf32>,
    %swap3A_27 = vector.shape_cast %swap3A_26 : vector<16xf32> to vector<16xf32>
    %swap3A_28 = vector.shape_cast %broadcast_in_dim3A_24 : vector<16xf32> to vector<16xf32>
    tpu.vector_store %arg6[%swap3A_25], %swap3A_28 {strides = array<i32>} : memref<128xf32, #tpu.memory_space<vmem>>, vector<16xf32>,
    %broadcast_in_dim3A_29 = arith.constant 1.000000e+00 : f32
    %broadcast_in_dim3A_30 = vector.broadcast %broadcast_in_dim3A_29 : f32 to vector<16xf32>
    %swap3A_31 = arith.constant 80 : index
    %swap3A_32 = tpu.vector_load %arg6[%swap3A_31] {strides = array<i32>} : memref<128xf32, #tpu.memory_space<vmem>>, vector<16xf32>,
    %swap3A_33 = vector.shape_cast %swap3A_32 : vector<16xf32> to vector<16xf32>
    %swap3A_34 = vector.shape_cast %broadcast_in_dim3A_30 : vector<16xf32> to vector<16xf32>
    tpu.vector_store %arg6[%swap3A_31], %swap3A_34 {strides = array<i32>} : memref<128xf32, #tpu.memory_space<vmem>>, vector<16xf32>,
    %broadcast_in_dim3A_35 = arith.constant 1.000000e+00 : f32
    %broadcast_in_dim3A_36 = vector.broadcast %broadcast_in_dim3A_35 : f32 to vector<16xf32>
    %swap3A_37 = arith.constant 96 : index
    %swap3A_38 = tpu.vector_load %arg6[%swap3A_37] {strides = array<i32>} : memref<128xf32, #tpu.memory_space<vmem>>, vector<16xf32>,
    %swap3A_39 = vector.shape_cast %swap3A_38 : vector<16xf32> to vector<16xf32>
    %swap3A_40 = vector.shape_cast %broadcast_in_dim3A_36 : vector<16xf32> to vector<16xf32>
    tpu.vector_store %arg6[%swap3A_37], %swap3A_40 {strides = array<i32>} : memref<128xf32, #tpu.memory_space<vmem>>, vector<16xf32>,
    %broadcast_in_dim3A_41 = arith.constant 1.000000e+00 : f32
    %broadcast_in_dim3A_42 = vector.broadcast %broadcast_in_dim3A_41 : f32 to vector<16xf32>
    %swap3A_43 = arith.constant 112 : index
    %swap3A_44 = tpu.vector_load %arg6[%swap3A_43] {strides = array<i32>} : memref<128xf32, #tpu.memory_space<vmem>>, vector<16xf32>,
    %swap3A_45 = vector.shape_cast %swap3A_44 : vector<16xf32> to vector<16xf32>
    %swap3A_46 = vector.shape_cast %broadcast_in_dim3A_42 : vector<16xf32> to vector<16xf32>
    tpu.vector_store %arg6[%swap3A_43], %swap3A_46 {strides = array<i32>} : memref<128xf32, #tpu.memory_space<vmem>>, vector<16xf32>,
    %mul3A_47 = arith.constant 640 : i32
    %mul3A_48 = arith.muli %arg1, %mul3A_47 : i32
    "tpu.region"() ({
      %run_scoped3A = tpu.sem_alloc : memref<!tpu.dma_semaphore, #tpu.memory_space<semaphore_mem>>
      %dma_start3A = tpu.memref_slice %arg7[%mul3A_48] : memref<10240xf32, #tpu.memory_space<vmem_shared>> -> memref<640xf32, #tpu.memory_space<vmem_shared>>
      tpu.enqueue_dma source(%arg3 : memref<640xf32, #tpu.memory_space<hbm>>) target(%dma_start3A : memref<640xf32, #tpu.memory_space<vmem_shared>>) target_semaphore(%run_scoped3A : memref<!tpu.dma_semaphore, #tpu.memory_space<semaphore_mem>>)
      %dma_wait3A = tpu.memref_slice %arg7[%mul3A_48] : memref<10240xf32, #tpu.memory_space<vmem_shared>> -> memref<640xf32, #tpu.memory_space<vmem_shared>>
      tpu.wait_dma2 semaphore(%run_scoped3A : memref<!tpu.dma_semaphore, #tpu.memory_space<semaphore_mem>>) src(%arg3 : memref<640xf32, #tpu.memory_space<hbm>>) dst(%dma_wait3A : memref<640xf32, #tpu.memory_space<vmem_shared>>)
      tpu.yield
    }) : () -> ()
    %barrier3A = arith.constant 0 : index
    tpu.barrier barrier_id(%barrier3A)
    %scan3A = arith.constant 0 : i32
    %scan3A_49 = arith.constant 0 : i32
    %scan3A_50 = arith.constant 80 : i32
    %scan3A_51 = arith.addi %scan3A_49, %scan3A_50 : i32
    %scan3A_52 = arith.constant 1 : i32
    scf.for %scan3A_62 = %scan3A_49 to %scan3A_51 step %scan3A_52  : i32 {
      "tpu.region"() ({
        %run_scoped3A = tpu.sem_alloc : memref<!tpu.dma_semaphore, #tpu.memory_space<semaphore_mem>>
        %dma_start3A = arith.constant 0 : i32
        %dma_start3A_63 = tpu.memref_slice %arg5[%scan3A_62, %dma_start3A] : memref<80x128xi32, #tpu.memory_space<vmem>> -> memref<1x128xi32, #tpu.memory_space<vmem>>
        %dma_start3A_64 = tpu.memref_squeeze %dma_start3A_63 : memref<1x128xi32, #tpu.memory_space<vmem>> -> memref<128xi32, #tpu.memory_space<vmem>>
        %dma_start3A_65 = arith.constant 0 : i32
        %dma_start3A_66 = tpu.memref_slice %arg7[%dma_start3A_65] : memref<10240xf32, #tpu.memory_space<vmem_shared>> -> memref<10240xf32, #tpu.memory_space<vmem_shared>>
        tpu.enqueue_indirect_dma source(%arg6 : memref<128xf32, #tpu.memory_space<vmem>>) target(%dma_start3A_66 : memref<10240xf32, #tpu.memory_space<vmem_shared>>) offsets(%dma_start3A_64 : memref<128xi32, #tpu.memory_space<vmem>>) semaphore(%run_scoped3A : memref<!tpu.dma_semaphore, #tpu.memory_space<semaphore_mem>>) {add = true}
        %dma_wait3A = arith.constant 0 : i32
        %dma_wait3A_67 = tpu.memref_slice %arg5[%scan3A_62, %dma_wait3A] : memref<80x128xi32, #tpu.memory_space<vmem>> -> memref<1x128xi32, #tpu.memory_space<vmem>>
        %dma_wait3A_68 = tpu.memref_squeeze %dma_wait3A_67 : memref<1x128xi32, #tpu.memory_space<vmem>> -> memref<128xi32, #tpu.memory_space<vmem>>
        %dma_wait3A_69 = arith.constant 0 : i32
        %dma_wait3A_70 = tpu.memref_slice %arg7[%dma_wait3A_69] : memref<10240xf32, #tpu.memory_space<vmem_shared>> -> memref<10240xf32, #tpu.memory_space<vmem_shared>>
        tpu.wait_indirect_dma semaphore(%run_scoped3A : memref<!tpu.dma_semaphore, #tpu.memory_space<semaphore_mem>>) src(%arg6 : memref<128xf32, #tpu.memory_space<vmem>>) dst(%dma_wait3A_70 : memref<10240xf32, #tpu.memory_space<vmem_shared>>)
        tpu.yield
      }) : () -> ()
    }
    %scan3A_53 = arith.constant 80 : i32
    %barrier3A_54 = arith.constant 0 : index
    tpu.barrier barrier_id(%barrier3A_54)
    %mul3A_55 = arith.constant 640 : i32
    %mul3A_56 = arith.muli %arg1, %mul3A_55 : i32
    %mul3A_57 = arith.constant 10240 : i32
    %mul3A_58 = arith.muli %arg0, %mul3A_57 : i32
    %mul3A_59 = arith.constant 640 : i32
    %mul3A_60 = arith.muli %arg1, %mul3A_59 : i32
    %add3A_61 = arith.addi %mul3A_58, %mul3A_60 : i32
    "tpu.region"() ({
      %run_scoped3A = tpu.sem_alloc : memref<!tpu.dma_semaphore, #tpu.memory_space<semaphore_mem>>
      %dma_start3A = tpu.memref_slice %arg4[%add3A_61] : memref<20480xf32, #tpu.memory_space<hbm>> -> memref<640xf32, #tpu.memory_space<hbm>>
      %dma_start3A_62 = tpu.memref_slice %arg7[%mul3A_56] : memref<10240xf32, #tpu.memory_space<vmem_shared>> -> memref<640xf32, #tpu.memory_space<vmem_shared>>
      tpu.enqueue_dma source(%dma_start3A_62 : memref<640xf32, #tpu.memory_space<vmem_shared>>) target(%dma_start3A : memref<640xf32, #tpu.memory_space<hbm>>) target_semaphore(%run_scoped3A : memref<!tpu.dma_semaphore, #tpu.memory_space<semaphore_mem>>)
      %dma_wait3A = tpu.memref_slice %arg4[%add3A_61] : memref<20480xf32, #tpu.memory_space<hbm>> -> memref<640xf32, #tpu.memory_space<hbm>>
      %dma_wait3A_63 = tpu.memref_slice %arg7[%mul3A_56] : memref<10240xf32, #tpu.memory_space<vmem_shared>> -> memref<640xf32, #tpu.memory_space<vmem_shared>>
      tpu.wait_dma2 semaphore(%run_scoped3A : memref<!tpu.dma_semaphore, #tpu.memory_space<semaphore_mem>>) src(%dma_wait3A_63 : memref<640xf32, #tpu.memory_space<vmem_shared>>) dst(%dma_wait3A : memref<640xf32, #tpu.memory_space<hbm>>)
      tpu.yield
    }) : () -> ()
    return
  }
}

#map = affine_map<(d0, d1) -> (0, 0, 0)>
#map1 = affine_map<(d0, d1) -> (0, 0)>
module attributes {stable_mosaic.version = 14 : i64} {
  func.func @prop_kernel(%arg0: i32, %arg1: i32, %arg2: memref<32x20x512xi32, #tpu.memory_space<hbm>>, %arg3: memref<32x20x512xi32, #tpu.memory_space<hbm>>, %arg4: memref<10240x64xf32, #tpu.memory_space<hbm>>, %arg5: memref<2x10240x64xf32, #tpu.memory_space<hbm>>, %arg6: memref<20x512xi32, #tpu.memory_space<vmem>>, %arg7: memref<20x512xi32, #tpu.memory_space<vmem>>, %arg8: memref<512x64xf32, #tpu.memory_space<vmem>>, %arg9: memref<128x64xf32, #tpu.memory_space<vmem>>, %arg10: memref<10240x64xf32, #tpu.memory_space<vmem_shared>>, %arg11: memref<!tpu.dma_semaphore, #tpu.memory_space<semaphore_mem>>) attributes {dimension_semantics = [#tpu.dimension_semantics<core_parallel>, #tpu.dimension_semantics<subcore_parallel>], iteration_bounds = array<i64: 2, 16>, scalar_prefetch = 0 : i64, scratch_operands = 6 : i64, tpu.core_type = #tpu.core_type<sc_vector_subcore>, window_params = [{transform_indices = #map}, {transform_indices = #map}, {transform_indices = #map1}, {transform_indices = #map}]} {
    %mul3A = arith.constant 16 : i32
    %mul3A_0 = arith.muli %arg0, %mul3A : i32
    %add3A = arith.addi %mul3A_0, %arg1 : i32
    "tpu.region"() ({
      %run_scoped3A = tpu.sem_alloc : memref<!tpu.dma_semaphore, #tpu.memory_space<semaphore_mem>>
      %dma_start3A = arith.constant 0 : i32
      %dma_start3A_38 = arith.constant 0 : i32
      %dma_start3A_39 = tpu.memref_slice %arg2[%add3A, %dma_start3A, %dma_start3A_38] : memref<32x20x512xi32, #tpu.memory_space<hbm>> -> memref<1x20x512xi32, #tpu.memory_space<hbm>>
      %dma_start3A_40 = tpu.memref_squeeze %dma_start3A_39 : memref<1x20x512xi32, #tpu.memory_space<hbm>> -> memref<20x512xi32, #tpu.memory_space<hbm>>
      %dma_start3A_41 = arith.constant 0 : i32
      %dma_start3A_42 = arith.constant 0 : i32
      %dma_start3A_43 = tpu.memref_slice %arg2[%add3A, %dma_start3A_41, %dma_start3A_42] : memref<32x20x512xi32, #tpu.memory_space<hbm>> -> memref<1x20x512xi32, #tpu.memory_space<hbm>>
      %dma_start3A_44 = tpu.memref_squeeze %dma_start3A_43 : memref<1x20x512xi32, #tpu.memory_space<hbm>> -> memref<20x512xi32, #tpu.memory_space<hbm>>
      tpu.enqueue_dma source(%dma_start3A_44 : memref<20x512xi32, #tpu.memory_space<hbm>>) target(%arg6 : memref<20x512xi32, #tpu.memory_space<vmem>>) target_semaphore(%run_scoped3A : memref<!tpu.dma_semaphore, #tpu.memory_space<semaphore_mem>>)
      %dma_wait3A = arith.constant 0 : i32
      %dma_wait3A_45 = arith.constant 0 : i32
      %dma_wait3A_46 = tpu.memref_slice %arg2[%add3A, %dma_wait3A, %dma_wait3A_45] : memref<32x20x512xi32, #tpu.memory_space<hbm>> -> memref<1x20x512xi32, #tpu.memory_space<hbm>>
      %dma_wait3A_47 = tpu.memref_squeeze %dma_wait3A_46 : memref<1x20x512xi32, #tpu.memory_space<hbm>> -> memref<20x512xi32, #tpu.memory_space<hbm>>
      %dma_wait3A_48 = arith.constant 0 : i32
      %dma_wait3A_49 = arith.constant 0 : i32
      %dma_wait3A_50 = tpu.memref_slice %arg2[%add3A, %dma_wait3A_48, %dma_wait3A_49] : memref<32x20x512xi32, #tpu.memory_space<hbm>> -> memref<1x20x512xi32, #tpu.memory_space<hbm>>
      %dma_wait3A_51 = tpu.memref_squeeze %dma_wait3A_50 : memref<1x20x512xi32, #tpu.memory_space<hbm>> -> memref<20x512xi32, #tpu.memory_space<hbm>>
      tpu.wait_dma2 semaphore(%run_scoped3A : memref<!tpu.dma_semaphore, #tpu.memory_space<semaphore_mem>>) src(%dma_wait3A_51 : memref<20x512xi32, #tpu.memory_space<hbm>>) dst(%arg6 : memref<20x512xi32, #tpu.memory_space<vmem>>)
      tpu.yield
    }) : () -> ()
    "tpu.region"() ({
      %run_scoped3A = tpu.sem_alloc : memref<!tpu.dma_semaphore, #tpu.memory_space<semaphore_mem>>
      %dma_start3A = arith.constant 0 : i32
      %dma_start3A_38 = arith.constant 0 : i32
      %dma_start3A_39 = tpu.memref_slice %arg3[%add3A, %dma_start3A, %dma_start3A_38] : memref<32x20x512xi32, #tpu.memory_space<hbm>> -> memref<1x20x512xi32, #tpu.memory_space<hbm>>
      %dma_start3A_40 = tpu.memref_squeeze %dma_start3A_39 : memref<1x20x512xi32, #tpu.memory_space<hbm>> -> memref<20x512xi32, #tpu.memory_space<hbm>>
      %dma_start3A_41 = arith.constant 0 : i32
      %dma_start3A_42 = arith.constant 0 : i32
      %dma_start3A_43 = tpu.memref_slice %arg3[%add3A, %dma_start3A_41, %dma_start3A_42] : memref<32x20x512xi32, #tpu.memory_space<hbm>> -> memref<1x20x512xi32, #tpu.memory_space<hbm>>
      %dma_start3A_44 = tpu.memref_squeeze %dma_start3A_43 : memref<1x20x512xi32, #tpu.memory_space<hbm>> -> memref<20x512xi32, #tpu.memory_space<hbm>>
      tpu.enqueue_dma source(%dma_start3A_44 : memref<20x512xi32, #tpu.memory_space<hbm>>) target(%arg7 : memref<20x512xi32, #tpu.memory_space<vmem>>) target_semaphore(%run_scoped3A : memref<!tpu.dma_semaphore, #tpu.memory_space<semaphore_mem>>)
      %dma_wait3A = arith.constant 0 : i32
      %dma_wait3A_45 = arith.constant 0 : i32
      %dma_wait3A_46 = tpu.memref_slice %arg3[%add3A, %dma_wait3A, %dma_wait3A_45] : memref<32x20x512xi32, #tpu.memory_space<hbm>> -> memref<1x20x512xi32, #tpu.memory_space<hbm>>
      %dma_wait3A_47 = tpu.memref_squeeze %dma_wait3A_46 : memref<1x20x512xi32, #tpu.memory_space<hbm>> -> memref<20x512xi32, #tpu.memory_space<hbm>>
      %dma_wait3A_48 = arith.constant 0 : i32
      %dma_wait3A_49 = arith.constant 0 : i32
      %dma_wait3A_50 = tpu.memref_slice %arg3[%add3A, %dma_wait3A_48, %dma_wait3A_49] : memref<32x20x512xi32, #tpu.memory_space<hbm>> -> memref<1x20x512xi32, #tpu.memory_space<hbm>>
      %dma_wait3A_51 = tpu.memref_squeeze %dma_wait3A_50 : memref<1x20x512xi32, #tpu.memory_space<hbm>> -> memref<20x512xi32, #tpu.memory_space<hbm>>
      tpu.wait_dma2 semaphore(%run_scoped3A : memref<!tpu.dma_semaphore, #tpu.memory_space<semaphore_mem>>) src(%dma_wait3A_51 : memref<20x512xi32, #tpu.memory_space<hbm>>) dst(%arg7 : memref<20x512xi32, #tpu.memory_space<vmem>>)
      tpu.yield
    }) : () -> ()
    %broadcast_in_dim3A = arith.constant 0.000000e+00 : f32
    %broadcast_in_dim3A_1 = vector.broadcast %broadcast_in_dim3A : f32 to vector<16xf32>
    %scan3A = arith.constant 0 : i32
    %scan3A_2 = arith.constant 0 : i32
    %scan3A_3 = arith.constant 128 : i32
    %scan3A_4 = arith.addi %scan3A_2, %scan3A_3 : i32
    %scan3A_5 = arith.constant 1 : i32
    scf.for %scan3A_38 = %scan3A_2 to %scan3A_4 step %scan3A_5  : i32 {
      %swap3A = arith.index_cast %scan3A_38 : i32 to index
      %swap3A_39 = arith.constant 0 : index
      %swap3A_40 = tpu.vector_load %arg9[%swap3A, %swap3A_39] {strides = array<i32>} : memref<128x64xf32, #tpu.memory_space<vmem>>, vector<1x16xf32>,
      %swap3A_41 = vector.shape_cast %swap3A_40 : vector<1x16xf32> to vector<16xf32>
      %swap3A_42 = vector.shape_cast %broadcast_in_dim3A_1 : vector<16xf32> to vector<1x16xf32>
      tpu.vector_store %arg9[%swap3A, %swap3A_39], %swap3A_42 {strides = array<i32>} : memref<128x64xf32, #tpu.memory_space<vmem>>, vector<1x16xf32>,
      %swap3A_43 = arith.index_cast %scan3A_38 : i32 to index
      %swap3A_44 = arith.constant 16 : index
      %swap3A_45 = tpu.vector_load %arg9[%swap3A_43, %swap3A_44] {strides = array<i32>} : memref<128x64xf32, #tpu.memory_space<vmem>>, vector<1x16xf32>,
      %swap3A_46 = vector.shape_cast %swap3A_45 : vector<1x16xf32> to vector<16xf32>
      %swap3A_47 = vector.shape_cast %broadcast_in_dim3A_1 : vector<16xf32> to vector<1x16xf32>
      tpu.vector_store %arg9[%swap3A_43, %swap3A_44], %swap3A_47 {strides = array<i32>} : memref<128x64xf32, #tpu.memory_space<vmem>>, vector<1x16xf32>,
      %swap3A_48 = arith.index_cast %scan3A_38 : i32 to index
      %swap3A_49 = arith.constant 32 : index
      %swap3A_50 = tpu.vector_load %arg9[%swap3A_48, %swap3A_49] {strides = array<i32>} : memref<128x64xf32, #tpu.memory_space<vmem>>, vector<1x16xf32>,
      %swap3A_51 = vector.shape_cast %swap3A_50 : vector<1x16xf32> to vector<16xf32>
      %swap3A_52 = vector.shape_cast %broadcast_in_dim3A_1 : vector<16xf32> to vector<1x16xf32>
      tpu.vector_store %arg9[%swap3A_48, %swap3A_49], %swap3A_52 {strides = array<i32>} : memref<128x64xf32, #tpu.memory_space<vmem>>, vector<1x16xf32>,
      %swap3A_53 = arith.index_cast %scan3A_38 : i32 to index
      %swap3A_54 = arith.constant 48 : index
      %swap3A_55 = tpu.vector_load %arg9[%swap3A_53, %swap3A_54] {strides = array<i32>} : memref<128x64xf32, #tpu.memory_space<vmem>>, vector<1x16xf32>,
      %swap3A_56 = vector.shape_cast %swap3A_55 : vector<1x16xf32> to vector<16xf32>
      %swap3A_57 = vector.shape_cast %broadcast_in_dim3A_1 : vector<16xf32> to vector<1x16xf32>
      tpu.vector_store %arg9[%swap3A_53, %swap3A_54], %swap3A_57 {strides = array<i32>} : memref<128x64xf32, #tpu.memory_space<vmem>>, vector<1x16xf32>,
    }
    %scan3A_6 = arith.constant 128 : i32
    %mul3A_7 = arith.constant 640 : i32
    %mul3A_8 = arith.muli %arg1, %mul3A_7 : i32
    %add3A_9 = arith.constant 0 : i32
    %add3A_10 = arith.addi %mul3A_8, %add3A_9 : i32
    "tpu.region"() ({
      %run_scoped3A = tpu.sem_alloc : memref<!tpu.dma_semaphore, #tpu.memory_space<semaphore_mem>>
      %dma_start3A = arith.constant 0 : i32
      %dma_start3A_38 = tpu.memref_slice %arg10[%add3A_10, %dma_start3A] : memref<10240x64xf32, #tpu.memory_space<vmem_shared>> -> memref<128x64xf32, #tpu.memory_space<vmem_shared>>
      %dma_start3A_39 = arith.constant 0 : i32
      %dma_start3A_40 = tpu.memref_slice %arg10[%add3A_10, %dma_start3A_39] : memref<10240x64xf32, #tpu.memory_space<vmem_shared>> -> memref<128x64xf32, #tpu.memory_space<vmem_shared>>
      tpu.enqueue_dma source(%arg9 : memref<128x64xf32, #tpu.memory_space<vmem>>) target(%dma_start3A_40 : memref<128x64xf32, #tpu.memory_space<vmem_shared>>) target_semaphore(%run_scoped3A : memref<!tpu.dma_semaphore, #tpu.memory_space<semaphore_mem>>)
      %dma_wait3A = arith.constant 0 : i32
      %dma_wait3A_41 = tpu.memref_slice %arg10[%add3A_10, %dma_wait3A] : memref<10240x64xf32, #tpu.memory_space<vmem_shared>> -> memref<128x64xf32, #tpu.memory_space<vmem_shared>>
      %dma_wait3A_42 = arith.constant 0 : i32
      %dma_wait3A_43 = tpu.memref_slice %arg10[%add3A_10, %dma_wait3A_42] : memref<10240x64xf32, #tpu.memory_space<vmem_shared>> -> memref<128x64xf32, #tpu.memory_space<vmem_shared>>
      tpu.wait_dma2 semaphore(%run_scoped3A : memref<!tpu.dma_semaphore, #tpu.memory_space<semaphore_mem>>) src(%arg9 : memref<128x64xf32, #tpu.memory_space<vmem>>) dst(%dma_wait3A_43 : memref<128x64xf32, #tpu.memory_space<vmem_shared>>)
      tpu.yield
    }) : () -> ()
    %mul3A_11 = arith.constant 640 : i32
    %mul3A_12 = arith.muli %arg1, %mul3A_11 : i32
    %add3A_13 = arith.constant 128 : i32
    %add3A_14 = arith.addi %mul3A_12, %add3A_13 : i32
    "tpu.region"() ({
      %run_scoped3A = tpu.sem_alloc : memref<!tpu.dma_semaphore, #tpu.memory_space<semaphore_mem>>
      %dma_start3A = arith.constant 0 : i32
      %dma_start3A_38 = tpu.memref_slice %arg10[%add3A_14, %dma_start3A] : memref<10240x64xf32, #tpu.memory_space<vmem_shared>> -> memref<128x64xf32, #tpu.memory_space<vmem_shared>>
      %dma_start3A_39 = arith.constant 0 : i32
      %dma_start3A_40 = tpu.memref_slice %arg10[%add3A_14, %dma_start3A_39] : memref<10240x64xf32, #tpu.memory_space<vmem_shared>> -> memref<128x64xf32, #tpu.memory_space<vmem_shared>>
      tpu.enqueue_dma source(%arg9 : memref<128x64xf32, #tpu.memory_space<vmem>>) target(%dma_start3A_40 : memref<128x64xf32, #tpu.memory_space<vmem_shared>>) target_semaphore(%run_scoped3A : memref<!tpu.dma_semaphore, #tpu.memory_space<semaphore_mem>>)
      %dma_wait3A = arith.constant 0 : i32
      %dma_wait3A_41 = tpu.memref_slice %arg10[%add3A_14, %dma_wait3A] : memref<10240x64xf32, #tpu.memory_space<vmem_shared>> -> memref<128x64xf32, #tpu.memory_space<vmem_shared>>
      %dma_wait3A_42 = arith.constant 0 : i32
      %dma_wait3A_43 = tpu.memref_slice %arg10[%add3A_14, %dma_wait3A_42] : memref<10240x64xf32, #tpu.memory_space<vmem_shared>> -> memref<128x64xf32, #tpu.memory_space<vmem_shared>>
      tpu.wait_dma2 semaphore(%run_scoped3A : memref<!tpu.dma_semaphore, #tpu.memory_space<semaphore_mem>>) src(%arg9 : memref<128x64xf32, #tpu.memory_space<vmem>>) dst(%dma_wait3A_43 : memref<128x64xf32, #tpu.memory_space<vmem_shared>>)
      tpu.yield
    }) : () -> ()
    %mul3A_15 = arith.constant 640 : i32
    %mul3A_16 = arith.muli %arg1, %mul3A_15 : i32
    %add3A_17 = arith.constant 256 : i32
    %add3A_18 = arith.addi %mul3A_16, %add3A_17 : i32
    "tpu.region"() ({
      %run_scoped3A = tpu.sem_alloc : memref<!tpu.dma_semaphore, #tpu.memory_space<semaphore_mem>>
      %dma_start3A = arith.constant 0 : i32
      %dma_start3A_38 = tpu.memref_slice %arg10[%add3A_18, %dma_start3A] : memref<10240x64xf32, #tpu.memory_space<vmem_shared>> -> memref<128x64xf32, #tpu.memory_space<vmem_shared>>
      %dma_start3A_39 = arith.constant 0 : i32
      %dma_start3A_40 = tpu.memref_slice %arg10[%add3A_18, %dma_start3A_39] : memref<10240x64xf32, #tpu.memory_space<vmem_shared>> -> memref<128x64xf32, #tpu.memory_space<vmem_shared>>
      tpu.enqueue_dma source(%arg9 : memref<128x64xf32, #tpu.memory_space<vmem>>) target(%dma_start3A_40 : memref<128x64xf32, #tpu.memory_space<vmem_shared>>) target_semaphore(%run_scoped3A : memref<!tpu.dma_semaphore, #tpu.memory_space<semaphore_mem>>)
      %dma_wait3A = arith.constant 0 : i32
      %dma_wait3A_41 = tpu.memref_slice %arg10[%add3A_18, %dma_wait3A] : memref<10240x64xf32, #tpu.memory_space<vmem_shared>> -> memref<128x64xf32, #tpu.memory_space<vmem_shared>>
      %dma_wait3A_42 = arith.constant 0 : i32
      %dma_wait3A_43 = tpu.memref_slice %arg10[%add3A_18, %dma_wait3A_42] : memref<10240x64xf32, #tpu.memory_space<vmem_shared>> -> memref<128x64xf32, #tpu.memory_space<vmem_shared>>
      tpu.wait_dma2 semaphore(%run_scoped3A : memref<!tpu.dma_semaphore, #tpu.memory_space<semaphore_mem>>) src(%arg9 : memref<128x64xf32, #tpu.memory_space<vmem>>) dst(%dma_wait3A_43 : memref<128x64xf32, #tpu.memory_space<vmem_shared>>)
      tpu.yield
    }) : () -> ()
    %mul3A_19 = arith.constant 640 : i32
    %mul3A_20 = arith.muli %arg1, %mul3A_19 : i32
    %add3A_21 = arith.constant 384 : i32
    %add3A_22 = arith.addi %mul3A_20, %add3A_21 : i32
    "tpu.region"() ({
      %run_scoped3A = tpu.sem_alloc : memref<!tpu.dma_semaphore, #tpu.memory_space<semaphore_mem>>
      %dma_start3A = arith.constant 0 : i32
      %dma_start3A_38 = tpu.memref_slice %arg10[%add3A_22, %dma_start3A] : memref<10240x64xf32, #tpu.memory_space<vmem_shared>> -> memref<128x64xf32, #tpu.memory_space<vmem_shared>>
      %dma_start3A_39 = arith.constant 0 : i32
      %dma_start3A_40 = tpu.memref_slice %arg10[%add3A_22, %dma_start3A_39] : memref<10240x64xf32, #tpu.memory_space<vmem_shared>> -> memref<128x64xf32, #tpu.memory_space<vmem_shared>>
      tpu.enqueue_dma source(%arg9 : memref<128x64xf32, #tpu.memory_space<vmem>>) target(%dma_start3A_40 : memref<128x64xf32, #tpu.memory_space<vmem_shared>>) target_semaphore(%run_scoped3A : memref<!tpu.dma_semaphore, #tpu.memory_space<semaphore_mem>>)
      %dma_wait3A = arith.constant 0 : i32
      %dma_wait3A_41 = tpu.memref_slice %arg10[%add3A_22, %dma_wait3A] : memref<10240x64xf32, #tpu.memory_space<vmem_shared>> -> memref<128x64xf32, #tpu.memory_space<vmem_shared>>
      %dma_wait3A_42 = arith.constant 0 : i32
      %dma_wait3A_43 = tpu.memref_slice %arg10[%add3A_22, %dma_wait3A_42] : memref<10240x64xf32, #tpu.memory_space<vmem_shared>> -> memref<128x64xf32, #tpu.memory_space<vmem_shared>>
      tpu.wait_dma2 semaphore(%run_scoped3A : memref<!tpu.dma_semaphore, #tpu.memory_space<semaphore_mem>>) src(%arg9 : memref<128x64xf32, #tpu.memory_space<vmem>>) dst(%dma_wait3A_43 : memref<128x64xf32, #tpu.memory_space<vmem_shared>>)
      tpu.yield
    }) : () -> ()
    %mul3A_23 = arith.constant 640 : i32
    %mul3A_24 = arith.muli %arg1, %mul3A_23 : i32
    %add3A_25 = arith.constant 512 : i32
    %add3A_26 = arith.addi %mul3A_24, %add3A_25 : i32
    "tpu.region"() ({
      %run_scoped3A = tpu.sem_alloc : memref<!tpu.dma_semaphore, #tpu.memory_space<semaphore_mem>>
      %dma_start3A = arith.constant 0 : i32
      %dma_start3A_38 = tpu.memref_slice %arg10[%add3A_26, %dma_start3A] : memref<10240x64xf32, #tpu.memory_space<vmem_shared>> -> memref<128x64xf32, #tpu.memory_space<vmem_shared>>
      %dma_start3A_39 = arith.constant 0 : i32
      %dma_start3A_40 = tpu.memref_slice %arg10[%add3A_26, %dma_start3A_39] : memref<10240x64xf32, #tpu.memory_space<vmem_shared>> -> memref<128x64xf32, #tpu.memory_space<vmem_shared>>
      tpu.enqueue_dma source(%arg9 : memref<128x64xf32, #tpu.memory_space<vmem>>) target(%dma_start3A_40 : memref<128x64xf32, #tpu.memory_space<vmem_shared>>) target_semaphore(%run_scoped3A : memref<!tpu.dma_semaphore, #tpu.memory_space<semaphore_mem>>)
      %dma_wait3A = arith.constant 0 : i32
      %dma_wait3A_41 = tpu.memref_slice %arg10[%add3A_26, %dma_wait3A] : memref<10240x64xf32, #tpu.memory_space<vmem_shared>> -> memref<128x64xf32, #tpu.memory_space<vmem_shared>>
      %dma_wait3A_42 = arith.constant 0 : i32
      %dma_wait3A_43 = tpu.memref_slice %arg10[%add3A_26, %dma_wait3A_42] : memref<10240x64xf32, #tpu.memory_space<vmem_shared>> -> memref<128x64xf32, #tpu.memory_space<vmem_shared>>
      tpu.wait_dma2 semaphore(%run_scoped3A : memref<!tpu.dma_semaphore, #tpu.memory_space<semaphore_mem>>) src(%arg9 : memref<128x64xf32, #tpu.memory_space<vmem>>) dst(%dma_wait3A_43 : memref<128x64xf32, #tpu.memory_space<vmem_shared>>)
      tpu.yield
    }) : () -> ()
    %barrier3A = arith.constant 0 : index
    tpu.barrier barrier_id(%barrier3A)
    %scan3A_27 = arith.constant 0 : i32
    %scan3A_28 = arith.constant 0 : i32
    %scan3A_29 = arith.constant 20 : i32
    %scan3A_30 = arith.addi %scan3A_28, %scan3A_29 : i32
    %scan3A_31 = arith.constant 1 : i32
    scf.for %scan3A_38 = %scan3A_28 to %scan3A_30 step %scan3A_31  : i32 {
      %dma_start3A = arith.constant 0 : i32
      %dma_start3A_39 = tpu.memref_slice %arg6[%scan3A_38, %dma_start3A] : memref<20x512xi32, #tpu.memory_space<vmem>> -> memref<1x512xi32, #tpu.memory_space<vmem>>
      %dma_start3A_40 = tpu.memref_squeeze %dma_start3A_39 : memref<1x512xi32, #tpu.memory_space<vmem>> -> memref<512xi32, #tpu.memory_space<vmem>>
      %dma_start3A_41 = arith.constant 0 : i32
      %dma_start3A_42 = arith.constant 0 : i32
      %dma_start3A_43 = tpu.memref_slice %arg4[%dma_start3A_41, %dma_start3A_42] : memref<10240x64xf32, #tpu.memory_space<hbm>> -> memref<10240x64xf32, #tpu.memory_space<hbm>>
      tpu.enqueue_indirect_dma source(%dma_start3A_43 : memref<10240x64xf32, #tpu.memory_space<hbm>>) target(%arg8 : memref<512x64xf32, #tpu.memory_space<vmem>>) offsets(%dma_start3A_40 : memref<512xi32, #tpu.memory_space<vmem>>) semaphore(%arg11 : memref<!tpu.dma_semaphore, #tpu.memory_space<semaphore_mem>>)
      %dma_wait3A = arith.constant 0 : i32
      %dma_wait3A_44 = tpu.memref_slice %arg6[%scan3A_38, %dma_wait3A] : memref<20x512xi32, #tpu.memory_space<vmem>> -> memref<1x512xi32, #tpu.memory_space<vmem>>
      %dma_wait3A_45 = tpu.memref_squeeze %dma_wait3A_44 : memref<1x512xi32, #tpu.memory_space<vmem>> -> memref<512xi32, #tpu.memory_space<vmem>>
      %dma_wait3A_46 = arith.constant 0 : i32
      %dma_wait3A_47 = arith.constant 0 : i32
      %dma_wait3A_48 = tpu.memref_slice %arg4[%dma_wait3A_46, %dma_wait3A_47] : memref<10240x64xf32, #tpu.memory_space<hbm>> -> memref<10240x64xf32, #tpu.memory_space<hbm>>
      tpu.wait_indirect_dma semaphore(%arg11 : memref<!tpu.dma_semaphore, #tpu.memory_space<semaphore_mem>>) src(%dma_wait3A_48 : memref<10240x64xf32, #tpu.memory_space<hbm>>) dst(%arg8 : memref<512x64xf32, #tpu.memory_space<vmem>>)
      "tpu.region"() ({
        %run_scoped3A = tpu.sem_alloc : memref<!tpu.dma_semaphore, #tpu.memory_space<semaphore_mem>>
        %dma_start3A_49 = arith.constant 0 : i32
        %dma_start3A_50 = tpu.memref_slice %arg7[%scan3A_38, %dma_start3A_49] : memref<20x512xi32, #tpu.memory_space<vmem>> -> memref<1x512xi32, #tpu.memory_space<vmem>>
        %dma_start3A_51 = tpu.memref_squeeze %dma_start3A_50 : memref<1x512xi32, #tpu.memory_space<vmem>> -> memref<512xi32, #tpu.memory_space<vmem>>
        %dma_start3A_52 = arith.constant 0 : i32
        %dma_start3A_53 = arith.constant 0 : i32
        %dma_start3A_54 = tpu.memref_slice %arg10[%dma_start3A_52, %dma_start3A_53] : memref<10240x64xf32, #tpu.memory_space<vmem_shared>> -> memref<10240x64xf32, #tpu.memory_space<vmem_shared>>
        tpu.enqueue_indirect_dma source(%arg8 : memref<512x64xf32, #tpu.memory_space<vmem>>) target(%dma_start3A_54 : memref<10240x64xf32, #tpu.memory_space<vmem_shared>>) offsets(%dma_start3A_51 : memref<512xi32, #tpu.memory_space<vmem>>) semaphore(%run_scoped3A : memref<!tpu.dma_semaphore, #tpu.memory_space<semaphore_mem>>) {add = true}
        %dma_wait3A_55 = arith.constant 0 : i32
        %dma_wait3A_56 = tpu.memref_slice %arg7[%scan3A_38, %dma_wait3A_55] : memref<20x512xi32, #tpu.memory_space<vmem>> -> memref<1x512xi32, #tpu.memory_space<vmem>>
        %dma_wait3A_57 = tpu.memref_squeeze %dma_wait3A_56 : memref<1x512xi32, #tpu.memory_space<vmem>> -> memref<512xi32, #tpu.memory_space<vmem>>
        %dma_wait3A_58 = arith.constant 0 : i32
        %dma_wait3A_59 = arith.constant 0 : i32
        %dma_wait3A_60 = tpu.memref_slice %arg10[%dma_wait3A_58, %dma_wait3A_59] : memref<10240x64xf32, #tpu.memory_space<vmem_shared>> -> memref<10240x64xf32, #tpu.memory_space<vmem_shared>>
        tpu.wait_indirect_dma semaphore(%run_scoped3A : memref<!tpu.dma_semaphore, #tpu.memory_space<semaphore_mem>>) src(%arg8 : memref<512x64xf32, #tpu.memory_space<vmem>>) dst(%dma_wait3A_60 : memref<10240x64xf32, #tpu.memory_space<vmem_shared>>)
        tpu.yield
      }) : () -> ()
    }
    %scan3A_32 = arith.constant 20 : i32
    %barrier3A_33 = arith.constant 0 : index
    tpu.barrier barrier_id(%barrier3A_33)
    %mul3A_34 = arith.constant 640 : i32
    %mul3A_35 = arith.muli %arg1, %mul3A_34 : i32
    %mul3A_36 = arith.constant 640 : i32
    %mul3A_37 = arith.muli %arg1, %mul3A_36 : i32
    "tpu.region"() ({
      %run_scoped3A = tpu.sem_alloc : memref<!tpu.dma_semaphore, #tpu.memory_space<semaphore_mem>>
      %dma_start3A = arith.constant 0 : i32
      %dma_start3A_38 = tpu.memref_slice %arg5[%arg0, %mul3A_37, %dma_start3A] : memref<2x10240x64xf32, #tpu.memory_space<hbm>> -> memref<1x640x64xf32, #tpu.memory_space<hbm>>
      %dma_start3A_39 = tpu.memref_squeeze %dma_start3A_38 : memref<1x640x64xf32, #tpu.memory_space<hbm>> -> memref<640x64xf32, #tpu.memory_space<hbm>>
      %dma_start3A_40 = arith.constant 0 : i32
      %dma_start3A_41 = tpu.memref_slice %arg10[%mul3A_35, %dma_start3A_40] : memref<10240x64xf32, #tpu.memory_space<vmem_shared>> -> memref<640x64xf32, #tpu.memory_space<vmem_shared>>
      tpu.enqueue_dma source(%dma_start3A_41 : memref<640x64xf32, #tpu.memory_space<vmem_shared>>) target(%dma_start3A_39 : memref<640x64xf32, #tpu.memory_space<hbm>>) target_semaphore(%run_scoped3A : memref<!tpu.dma_semaphore, #tpu.memory_space<semaphore_mem>>)
      %dma_wait3A = arith.constant 0 : i32
      %dma_wait3A_42 = tpu.memref_slice %arg5[%arg0, %mul3A_37, %dma_wait3A] : memref<2x10240x64xf32, #tpu.memory_space<hbm>> -> memref<1x640x64xf32, #tpu.memory_space<hbm>>
      %dma_wait3A_43 = tpu.memref_squeeze %dma_wait3A_42 : memref<1x640x64xf32, #tpu.memory_space<hbm>> -> memref<640x64xf32, #tpu.memory_space<hbm>>
      %dma_wait3A_44 = arith.constant 0 : i32
      %dma_wait3A_45 = tpu.memref_slice %arg10[%mul3A_35, %dma_wait3A_44] : memref<10240x64xf32, #tpu.memory_space<vmem_shared>> -> memref<640x64xf32, #tpu.memory_space<vmem_shared>>
      tpu.wait_dma2 semaphore(%run_scoped3A : memref<!tpu.dma_semaphore, #tpu.memory_space<semaphore_mem>>) src(%dma_wait3A_45 : memref<640x64xf32, #tpu.memory_space<vmem_shared>>) dst(%dma_wait3A_43 : memref<640x64xf32, #tpu.memory_space<hbm>>)
      tpu.yield
    }) : () -> ()
    return
  }
}

#map = affine_map<(d0, d1) -> (0, 0, 0)>
#map1 = affine_map<(d0, d1) -> (0, 0)>
module attributes {stable_mosaic.version = 14 : i64} {
  func.func @prop_kernel(%arg0: i32, %arg1: i32, %arg2: memref<32x4x2560xi32, #tpu.memory_space<hbm>>, %arg3: memref<32x4x2560xi32, #tpu.memory_space<hbm>>, %arg4: memref<10240x32xf32, #tpu.memory_space<hbm>>, %arg5: memref<2x10240x32xf32, #tpu.memory_space<hbm>>, %arg6: memref<4x2560xi32, #tpu.memory_space<vmem>>, %arg7: memref<4x2560xi32, #tpu.memory_space<vmem>>, %arg8: memref<2560x32xf32, #tpu.memory_space<vmem>>, %arg9: memref<128x32xf32, #tpu.memory_space<vmem>>, %arg10: memref<10240x32xf32, #tpu.memory_space<vmem_shared>>, %arg11: memref<!tpu.dma_semaphore, #tpu.memory_space<semaphore_mem>>) attributes {dimension_semantics = [#tpu.dimension_semantics<core_parallel>, #tpu.dimension_semantics<subcore_parallel>], iteration_bounds = array<i64: 2, 16>, scalar_prefetch = 0 : i64, scratch_operands = 6 : i64, tpu.core_type = #tpu.core_type<sc_vector_subcore>, window_params = [{transform_indices = #map}, {transform_indices = #map}, {transform_indices = #map1}, {transform_indices = #map}]} {
    %mul3A = arith.constant 16 : i32
    %mul3A_0 = arith.muli %arg0, %mul3A : i32
    %add3A = arith.addi %mul3A_0, %arg1 : i32
    "tpu.region"() ({
      %run_scoped3A = tpu.sem_alloc : memref<!tpu.dma_semaphore, #tpu.memory_space<semaphore_mem>>
      %dma_start3A = arith.constant 0 : i32
      %dma_start3A_38 = arith.constant 0 : i32
      %dma_start3A_39 = tpu.memref_slice %arg2[%add3A, %dma_start3A, %dma_start3A_38] : memref<32x4x2560xi32, #tpu.memory_space<hbm>> -> memref<1x4x2560xi32, #tpu.memory_space<hbm>>
      %dma_start3A_40 = tpu.memref_squeeze %dma_start3A_39 : memref<1x4x2560xi32, #tpu.memory_space<hbm>> -> memref<4x2560xi32, #tpu.memory_space<hbm>>
      %dma_start3A_41 = arith.constant 0 : i32
      %dma_start3A_42 = arith.constant 0 : i32
      %dma_start3A_43 = tpu.memref_slice %arg2[%add3A, %dma_start3A_41, %dma_start3A_42] : memref<32x4x2560xi32, #tpu.memory_space<hbm>> -> memref<1x4x2560xi32, #tpu.memory_space<hbm>>
      %dma_start3A_44 = tpu.memref_squeeze %dma_start3A_43 : memref<1x4x2560xi32, #tpu.memory_space<hbm>> -> memref<4x2560xi32, #tpu.memory_space<hbm>>
      tpu.enqueue_dma source(%dma_start3A_44 : memref<4x2560xi32, #tpu.memory_space<hbm>>) target(%arg6 : memref<4x2560xi32, #tpu.memory_space<vmem>>) target_semaphore(%run_scoped3A : memref<!tpu.dma_semaphore, #tpu.memory_space<semaphore_mem>>)
      %dma_wait3A = arith.constant 0 : i32
      %dma_wait3A_45 = arith.constant 0 : i32
      %dma_wait3A_46 = tpu.memref_slice %arg2[%add3A, %dma_wait3A, %dma_wait3A_45] : memref<32x4x2560xi32, #tpu.memory_space<hbm>> -> memref<1x4x2560xi32, #tpu.memory_space<hbm>>
      %dma_wait3A_47 = tpu.memref_squeeze %dma_wait3A_46 : memref<1x4x2560xi32, #tpu.memory_space<hbm>> -> memref<4x2560xi32, #tpu.memory_space<hbm>>
      %dma_wait3A_48 = arith.constant 0 : i32
      %dma_wait3A_49 = arith.constant 0 : i32
      %dma_wait3A_50 = tpu.memref_slice %arg2[%add3A, %dma_wait3A_48, %dma_wait3A_49] : memref<32x4x2560xi32, #tpu.memory_space<hbm>> -> memref<1x4x2560xi32, #tpu.memory_space<hbm>>
      %dma_wait3A_51 = tpu.memref_squeeze %dma_wait3A_50 : memref<1x4x2560xi32, #tpu.memory_space<hbm>> -> memref<4x2560xi32, #tpu.memory_space<hbm>>
      tpu.wait_dma2 semaphore(%run_scoped3A : memref<!tpu.dma_semaphore, #tpu.memory_space<semaphore_mem>>) src(%dma_wait3A_51 : memref<4x2560xi32, #tpu.memory_space<hbm>>) dst(%arg6 : memref<4x2560xi32, #tpu.memory_space<vmem>>)
      tpu.yield
    }) : () -> ()
    "tpu.region"() ({
      %run_scoped3A = tpu.sem_alloc : memref<!tpu.dma_semaphore, #tpu.memory_space<semaphore_mem>>
      %dma_start3A = arith.constant 0 : i32
      %dma_start3A_38 = arith.constant 0 : i32
      %dma_start3A_39 = tpu.memref_slice %arg3[%add3A, %dma_start3A, %dma_start3A_38] : memref<32x4x2560xi32, #tpu.memory_space<hbm>> -> memref<1x4x2560xi32, #tpu.memory_space<hbm>>
      %dma_start3A_40 = tpu.memref_squeeze %dma_start3A_39 : memref<1x4x2560xi32, #tpu.memory_space<hbm>> -> memref<4x2560xi32, #tpu.memory_space<hbm>>
      %dma_start3A_41 = arith.constant 0 : i32
      %dma_start3A_42 = arith.constant 0 : i32
      %dma_start3A_43 = tpu.memref_slice %arg3[%add3A, %dma_start3A_41, %dma_start3A_42] : memref<32x4x2560xi32, #tpu.memory_space<hbm>> -> memref<1x4x2560xi32, #tpu.memory_space<hbm>>
      %dma_start3A_44 = tpu.memref_squeeze %dma_start3A_43 : memref<1x4x2560xi32, #tpu.memory_space<hbm>> -> memref<4x2560xi32, #tpu.memory_space<hbm>>
      tpu.enqueue_dma source(%dma_start3A_44 : memref<4x2560xi32, #tpu.memory_space<hbm>>) target(%arg7 : memref<4x2560xi32, #tpu.memory_space<vmem>>) target_semaphore(%run_scoped3A : memref<!tpu.dma_semaphore, #tpu.memory_space<semaphore_mem>>)
      %dma_wait3A = arith.constant 0 : i32
      %dma_wait3A_45 = arith.constant 0 : i32
      %dma_wait3A_46 = tpu.memref_slice %arg3[%add3A, %dma_wait3A, %dma_wait3A_45] : memref<32x4x2560xi32, #tpu.memory_space<hbm>> -> memref<1x4x2560xi32, #tpu.memory_space<hbm>>
      %dma_wait3A_47 = tpu.memref_squeeze %dma_wait3A_46 : memref<1x4x2560xi32, #tpu.memory_space<hbm>> -> memref<4x2560xi32, #tpu.memory_space<hbm>>
      %dma_wait3A_48 = arith.constant 0 : i32
      %dma_wait3A_49 = arith.constant 0 : i32
      %dma_wait3A_50 = tpu.memref_slice %arg3[%add3A, %dma_wait3A_48, %dma_wait3A_49] : memref<32x4x2560xi32, #tpu.memory_space<hbm>> -> memref<1x4x2560xi32, #tpu.memory_space<hbm>>
      %dma_wait3A_51 = tpu.memref_squeeze %dma_wait3A_50 : memref<1x4x2560xi32, #tpu.memory_space<hbm>> -> memref<4x2560xi32, #tpu.memory_space<hbm>>
      tpu.wait_dma2 semaphore(%run_scoped3A : memref<!tpu.dma_semaphore, #tpu.memory_space<semaphore_mem>>) src(%dma_wait3A_51 : memref<4x2560xi32, #tpu.memory_space<hbm>>) dst(%arg7 : memref<4x2560xi32, #tpu.memory_space<vmem>>)
      tpu.yield
    }) : () -> ()
    %broadcast_in_dim3A = arith.constant 0.000000e+00 : f32
    %broadcast_in_dim3A_1 = vector.broadcast %broadcast_in_dim3A : f32 to vector<16xf32>
    %scan3A = arith.constant 0 : i32
    %scan3A_2 = arith.constant 0 : i32
    %scan3A_3 = arith.constant 128 : i32
    %scan3A_4 = arith.addi %scan3A_2, %scan3A_3 : i32
    %scan3A_5 = arith.constant 1 : i32
    scf.for %scan3A_38 = %scan3A_2 to %scan3A_4 step %scan3A_5  : i32 {
      %swap3A = arith.index_cast %scan3A_38 : i32 to index
      %swap3A_39 = arith.constant 0 : index
      %swap3A_40 = tpu.vector_load %arg9[%swap3A, %swap3A_39] {strides = array<i32>} : memref<128x32xf32, #tpu.memory_space<vmem>>, vector<1x16xf32>,
      %swap3A_41 = vector.shape_cast %swap3A_40 : vector<1x16xf32> to vector<16xf32>
      %swap3A_42 = vector.shape_cast %broadcast_in_dim3A_1 : vector<16xf32> to vector<1x16xf32>
      tpu.vector_store %arg9[%swap3A, %swap3A_39], %swap3A_42 {strides = array<i32>} : memref<128x32xf32, #tpu.memory_space<vmem>>, vector<1x16xf32>,
      %swap3A_43 = arith.index_cast %scan3A_38 : i32 to index
      %swap3A_44 = arith.constant 16 : index
      %swap3A_45 = tpu.vector_load %arg9[%swap3A_43, %swap3A_44] {strides = array<i32>} : memref<128x32xf32, #tpu.memory_space<vmem>>, vector<1x16xf32>,
      %swap3A_46 = vector.shape_cast %swap3A_45 : vector<1x16xf32> to vector<16xf32>
      %swap3A_47 = vector.shape_cast %broadcast_in_dim3A_1 : vector<16xf32> to vector<1x16xf32>
      tpu.vector_store %arg9[%swap3A_43, %swap3A_44], %swap3A_47 {strides = array<i32>} : memref<128x32xf32, #tpu.memory_space<vmem>>, vector<1x16xf32>,
    }
    %scan3A_6 = arith.constant 128 : i32
    %mul3A_7 = arith.constant 640 : i32
    %mul3A_8 = arith.muli %arg1, %mul3A_7 : i32
    %add3A_9 = arith.constant 0 : i32
    %add3A_10 = arith.addi %mul3A_8, %add3A_9 : i32
    "tpu.region"() ({
      %run_scoped3A = tpu.sem_alloc : memref<!tpu.dma_semaphore, #tpu.memory_space<semaphore_mem>>
      %dma_start3A = arith.constant 0 : i32
      %dma_start3A_38 = tpu.memref_slice %arg10[%add3A_10, %dma_start3A] : memref<10240x32xf32, #tpu.memory_space<vmem_shared>> -> memref<128x32xf32, #tpu.memory_space<vmem_shared>>
      %dma_start3A_39 = arith.constant 0 : i32
      %dma_start3A_40 = tpu.memref_slice %arg10[%add3A_10, %dma_start3A_39] : memref<10240x32xf32, #tpu.memory_space<vmem_shared>> -> memref<128x32xf32, #tpu.memory_space<vmem_shared>>
      tpu.enqueue_dma source(%arg9 : memref<128x32xf32, #tpu.memory_space<vmem>>) target(%dma_start3A_40 : memref<128x32xf32, #tpu.memory_space<vmem_shared>>) target_semaphore(%run_scoped3A : memref<!tpu.dma_semaphore, #tpu.memory_space<semaphore_mem>>)
      %dma_wait3A = arith.constant 0 : i32
      %dma_wait3A_41 = tpu.memref_slice %arg10[%add3A_10, %dma_wait3A] : memref<10240x32xf32, #tpu.memory_space<vmem_shared>> -> memref<128x32xf32, #tpu.memory_space<vmem_shared>>
      %dma_wait3A_42 = arith.constant 0 : i32
      %dma_wait3A_43 = tpu.memref_slice %arg10[%add3A_10, %dma_wait3A_42] : memref<10240x32xf32, #tpu.memory_space<vmem_shared>> -> memref<128x32xf32, #tpu.memory_space<vmem_shared>>
      tpu.wait_dma2 semaphore(%run_scoped3A : memref<!tpu.dma_semaphore, #tpu.memory_space<semaphore_mem>>) src(%arg9 : memref<128x32xf32, #tpu.memory_space<vmem>>) dst(%dma_wait3A_43 : memref<128x32xf32, #tpu.memory_space<vmem_shared>>)
      tpu.yield
    }) : () -> ()
    %mul3A_11 = arith.constant 640 : i32
    %mul3A_12 = arith.muli %arg1, %mul3A_11 : i32
    %add3A_13 = arith.constant 128 : i32
    %add3A_14 = arith.addi %mul3A_12, %add3A_13 : i32
    "tpu.region"() ({
      %run_scoped3A = tpu.sem_alloc : memref<!tpu.dma_semaphore, #tpu.memory_space<semaphore_mem>>
      %dma_start3A = arith.constant 0 : i32
      %dma_start3A_38 = tpu.memref_slice %arg10[%add3A_14, %dma_start3A] : memref<10240x32xf32, #tpu.memory_space<vmem_shared>> -> memref<128x32xf32, #tpu.memory_space<vmem_shared>>
      %dma_start3A_39 = arith.constant 0 : i32
      %dma_start3A_40 = tpu.memref_slice %arg10[%add3A_14, %dma_start3A_39] : memref<10240x32xf32, #tpu.memory_space<vmem_shared>> -> memref<128x32xf32, #tpu.memory_space<vmem_shared>>
      tpu.enqueue_dma source(%arg9 : memref<128x32xf32, #tpu.memory_space<vmem>>) target(%dma_start3A_40 : memref<128x32xf32, #tpu.memory_space<vmem_shared>>) target_semaphore(%run_scoped3A : memref<!tpu.dma_semaphore, #tpu.memory_space<semaphore_mem>>)
      %dma_wait3A = arith.constant 0 : i32
      %dma_wait3A_41 = tpu.memref_slice %arg10[%add3A_14, %dma_wait3A] : memref<10240x32xf32, #tpu.memory_space<vmem_shared>> -> memref<128x32xf32, #tpu.memory_space<vmem_shared>>
      %dma_wait3A_42 = arith.constant 0 : i32
      %dma_wait3A_43 = tpu.memref_slice %arg10[%add3A_14, %dma_wait3A_42] : memref<10240x32xf32, #tpu.memory_space<vmem_shared>> -> memref<128x32xf32, #tpu.memory_space<vmem_shared>>
      tpu.wait_dma2 semaphore(%run_scoped3A : memref<!tpu.dma_semaphore, #tpu.memory_space<semaphore_mem>>) src(%arg9 : memref<128x32xf32, #tpu.memory_space<vmem>>) dst(%dma_wait3A_43 : memref<128x32xf32, #tpu.memory_space<vmem_shared>>)
      tpu.yield
    }) : () -> ()
    %mul3A_15 = arith.constant 640 : i32
    %mul3A_16 = arith.muli %arg1, %mul3A_15 : i32
    %add3A_17 = arith.constant 256 : i32
    %add3A_18 = arith.addi %mul3A_16, %add3A_17 : i32
    "tpu.region"() ({
      %run_scoped3A = tpu.sem_alloc : memref<!tpu.dma_semaphore, #tpu.memory_space<semaphore_mem>>
      %dma_start3A = arith.constant 0 : i32
      %dma_start3A_38 = tpu.memref_slice %arg10[%add3A_18, %dma_start3A] : memref<10240x32xf32, #tpu.memory_space<vmem_shared>> -> memref<128x32xf32, #tpu.memory_space<vmem_shared>>
      %dma_start3A_39 = arith.constant 0 : i32
      %dma_start3A_40 = tpu.memref_slice %arg10[%add3A_18, %dma_start3A_39] : memref<10240x32xf32, #tpu.memory_space<vmem_shared>> -> memref<128x32xf32, #tpu.memory_space<vmem_shared>>
      tpu.enqueue_dma source(%arg9 : memref<128x32xf32, #tpu.memory_space<vmem>>) target(%dma_start3A_40 : memref<128x32xf32, #tpu.memory_space<vmem_shared>>) target_semaphore(%run_scoped3A : memref<!tpu.dma_semaphore, #tpu.memory_space<semaphore_mem>>)
      %dma_wait3A = arith.constant 0 : i32
      %dma_wait3A_41 = tpu.memref_slice %arg10[%add3A_18, %dma_wait3A] : memref<10240x32xf32, #tpu.memory_space<vmem_shared>> -> memref<128x32xf32, #tpu.memory_space<vmem_shared>>
      %dma_wait3A_42 = arith.constant 0 : i32
      %dma_wait3A_43 = tpu.memref_slice %arg10[%add3A_18, %dma_wait3A_42] : memref<10240x32xf32, #tpu.memory_space<vmem_shared>> -> memref<128x32xf32, #tpu.memory_space<vmem_shared>>
      tpu.wait_dma2 semaphore(%run_scoped3A : memref<!tpu.dma_semaphore, #tpu.memory_space<semaphore_mem>>) src(%arg9 : memref<128x32xf32, #tpu.memory_space<vmem>>) dst(%dma_wait3A_43 : memref<128x32xf32, #tpu.memory_space<vmem_shared>>)
      tpu.yield
    }) : () -> ()
    %mul3A_19 = arith.constant 640 : i32
    %mul3A_20 = arith.muli %arg1, %mul3A_19 : i32
    %add3A_21 = arith.constant 384 : i32
    %add3A_22 = arith.addi %mul3A_20, %add3A_21 : i32
    "tpu.region"() ({
      %run_scoped3A = tpu.sem_alloc : memref<!tpu.dma_semaphore, #tpu.memory_space<semaphore_mem>>
      %dma_start3A = arith.constant 0 : i32
      %dma_start3A_38 = tpu.memref_slice %arg10[%add3A_22, %dma_start3A] : memref<10240x32xf32, #tpu.memory_space<vmem_shared>> -> memref<128x32xf32, #tpu.memory_space<vmem_shared>>
      %dma_start3A_39 = arith.constant 0 : i32
      %dma_start3A_40 = tpu.memref_slice %arg10[%add3A_22, %dma_start3A_39] : memref<10240x32xf32, #tpu.memory_space<vmem_shared>> -> memref<128x32xf32, #tpu.memory_space<vmem_shared>>
      tpu.enqueue_dma source(%arg9 : memref<128x32xf32, #tpu.memory_space<vmem>>) target(%dma_start3A_40 : memref<128x32xf32, #tpu.memory_space<vmem_shared>>) target_semaphore(%run_scoped3A : memref<!tpu.dma_semaphore, #tpu.memory_space<semaphore_mem>>)
      %dma_wait3A = arith.constant 0 : i32
      %dma_wait3A_41 = tpu.memref_slice %arg10[%add3A_22, %dma_wait3A] : memref<10240x32xf32, #tpu.memory_space<vmem_shared>> -> memref<128x32xf32, #tpu.memory_space<vmem_shared>>
      %dma_wait3A_42 = arith.constant 0 : i32
      %dma_wait3A_43 = tpu.memref_slice %arg10[%add3A_22, %dma_wait3A_42] : memref<10240x32xf32, #tpu.memory_space<vmem_shared>> -> memref<128x32xf32, #tpu.memory_space<vmem_shared>>
      tpu.wait_dma2 semaphore(%run_scoped3A : memref<!tpu.dma_semaphore, #tpu.memory_space<semaphore_mem>>) src(%arg9 : memref<128x32xf32, #tpu.memory_space<vmem>>) dst(%dma_wait3A_43 : memref<128x32xf32, #tpu.memory_space<vmem_shared>>)
      tpu.yield
    }) : () -> ()
    %mul3A_23 = arith.constant 640 : i32
    %mul3A_24 = arith.muli %arg1, %mul3A_23 : i32
    %add3A_25 = arith.constant 512 : i32
    %add3A_26 = arith.addi %mul3A_24, %add3A_25 : i32
    "tpu.region"() ({
      %run_scoped3A = tpu.sem_alloc : memref<!tpu.dma_semaphore, #tpu.memory_space<semaphore_mem>>
      %dma_start3A = arith.constant 0 : i32
      %dma_start3A_38 = tpu.memref_slice %arg10[%add3A_26, %dma_start3A] : memref<10240x32xf32, #tpu.memory_space<vmem_shared>> -> memref<128x32xf32, #tpu.memory_space<vmem_shared>>
      %dma_start3A_39 = arith.constant 0 : i32
      %dma_start3A_40 = tpu.memref_slice %arg10[%add3A_26, %dma_start3A_39] : memref<10240x32xf32, #tpu.memory_space<vmem_shared>> -> memref<128x32xf32, #tpu.memory_space<vmem_shared>>
      tpu.enqueue_dma source(%arg9 : memref<128x32xf32, #tpu.memory_space<vmem>>) target(%dma_start3A_40 : memref<128x32xf32, #tpu.memory_space<vmem_shared>>) target_semaphore(%run_scoped3A : memref<!tpu.dma_semaphore, #tpu.memory_space<semaphore_mem>>)
      %dma_wait3A = arith.constant 0 : i32
      %dma_wait3A_41 = tpu.memref_slice %arg10[%add3A_26, %dma_wait3A] : memref<10240x32xf32, #tpu.memory_space<vmem_shared>> -> memref<128x32xf32, #tpu.memory_space<vmem_shared>>
      %dma_wait3A_42 = arith.constant 0 : i32
      %dma_wait3A_43 = tpu.memref_slice %arg10[%add3A_26, %dma_wait3A_42] : memref<10240x32xf32, #tpu.memory_space<vmem_shared>> -> memref<128x32xf32, #tpu.memory_space<vmem_shared>>
      tpu.wait_dma2 semaphore(%run_scoped3A : memref<!tpu.dma_semaphore, #tpu.memory_space<semaphore_mem>>) src(%arg9 : memref<128x32xf32, #tpu.memory_space<vmem>>) dst(%dma_wait3A_43 : memref<128x32xf32, #tpu.memory_space<vmem_shared>>)
      tpu.yield
    }) : () -> ()
    %barrier3A = arith.constant 0 : index
    tpu.barrier barrier_id(%barrier3A)
    %scan3A_27 = arith.constant 0 : i32
    %scan3A_28 = arith.constant 0 : i32
    %scan3A_29 = arith.constant 4 : i32
    %scan3A_30 = arith.addi %scan3A_28, %scan3A_29 : i32
    %scan3A_31 = arith.constant 1 : i32
    scf.for %scan3A_38 = %scan3A_28 to %scan3A_30 step %scan3A_31  : i32 {
      %dma_start3A = arith.constant 0 : i32
      %dma_start3A_39 = tpu.memref_slice %arg6[%scan3A_38, %dma_start3A] : memref<4x2560xi32, #tpu.memory_space<vmem>> -> memref<1x2560xi32, #tpu.memory_space<vmem>>
      %dma_start3A_40 = tpu.memref_squeeze %dma_start3A_39 : memref<1x2560xi32, #tpu.memory_space<vmem>> -> memref<2560xi32, #tpu.memory_space<vmem>>
      %dma_start3A_41 = arith.constant 0 : i32
      %dma_start3A_42 = arith.constant 0 : i32
      %dma_start3A_43 = tpu.memref_slice %arg4[%dma_start3A_41, %dma_start3A_42] : memref<10240x32xf32, #tpu.memory_space<hbm>> -> memref<10240x32xf32, #tpu.memory_space<hbm>>
      tpu.enqueue_indirect_dma source(%dma_start3A_43 : memref<10240x32xf32, #tpu.memory_space<hbm>>) target(%arg8 : memref<2560x32xf32, #tpu.memory_space<vmem>>) offsets(%dma_start3A_40 : memref<2560xi32, #tpu.memory_space<vmem>>) semaphore(%arg11 : memref<!tpu.dma_semaphore, #tpu.memory_space<semaphore_mem>>)
      %dma_wait3A = arith.constant 0 : i32
      %dma_wait3A_44 = tpu.memref_slice %arg6[%scan3A_38, %dma_wait3A] : memref<4x2560xi32, #tpu.memory_space<vmem>> -> memref<1x2560xi32, #tpu.memory_space<vmem>>
      %dma_wait3A_45 = tpu.memref_squeeze %dma_wait3A_44 : memref<1x2560xi32, #tpu.memory_space<vmem>> -> memref<2560xi32, #tpu.memory_space<vmem>>
      %dma_wait3A_46 = arith.constant 0 : i32
      %dma_wait3A_47 = arith.constant 0 : i32
      %dma_wait3A_48 = tpu.memref_slice %arg4[%dma_wait3A_46, %dma_wait3A_47] : memref<10240x32xf32, #tpu.memory_space<hbm>> -> memref<10240x32xf32, #tpu.memory_space<hbm>>
      tpu.wait_indirect_dma semaphore(%arg11 : memref<!tpu.dma_semaphore, #tpu.memory_space<semaphore_mem>>) src(%dma_wait3A_48 : memref<10240x32xf32, #tpu.memory_space<hbm>>) dst(%arg8 : memref<2560x32xf32, #tpu.memory_space<vmem>>)
      "tpu.region"() ({
        %run_scoped3A = tpu.sem_alloc : memref<!tpu.dma_semaphore, #tpu.memory_space<semaphore_mem>>
        %dma_start3A_49 = arith.constant 0 : i32
        %dma_start3A_50 = tpu.memref_slice %arg7[%scan3A_38, %dma_start3A_49] : memref<4x2560xi32, #tpu.memory_space<vmem>> -> memref<1x2560xi32, #tpu.memory_space<vmem>>
        %dma_start3A_51 = tpu.memref_squeeze %dma_start3A_50 : memref<1x2560xi32, #tpu.memory_space<vmem>> -> memref<2560xi32, #tpu.memory_space<vmem>>
        %dma_start3A_52 = arith.constant 0 : i32
        %dma_start3A_53 = arith.constant 0 : i32
        %dma_start3A_54 = tpu.memref_slice %arg10[%dma_start3A_52, %dma_start3A_53] : memref<10240x32xf32, #tpu.memory_space<vmem_shared>> -> memref<10240x32xf32, #tpu.memory_space<vmem_shared>>
        tpu.enqueue_indirect_dma source(%arg8 : memref<2560x32xf32, #tpu.memory_space<vmem>>) target(%dma_start3A_54 : memref<10240x32xf32, #tpu.memory_space<vmem_shared>>) offsets(%dma_start3A_51 : memref<2560xi32, #tpu.memory_space<vmem>>) semaphore(%run_scoped3A : memref<!tpu.dma_semaphore, #tpu.memory_space<semaphore_mem>>) {add = true}
        %dma_wait3A_55 = arith.constant 0 : i32
        %dma_wait3A_56 = tpu.memref_slice %arg7[%scan3A_38, %dma_wait3A_55] : memref<4x2560xi32, #tpu.memory_space<vmem>> -> memref<1x2560xi32, #tpu.memory_space<vmem>>
        %dma_wait3A_57 = tpu.memref_squeeze %dma_wait3A_56 : memref<1x2560xi32, #tpu.memory_space<vmem>> -> memref<2560xi32, #tpu.memory_space<vmem>>
        %dma_wait3A_58 = arith.constant 0 : i32
        %dma_wait3A_59 = arith.constant 0 : i32
        %dma_wait3A_60 = tpu.memref_slice %arg10[%dma_wait3A_58, %dma_wait3A_59] : memref<10240x32xf32, #tpu.memory_space<vmem_shared>> -> memref<10240x32xf32, #tpu.memory_space<vmem_shared>>
        tpu.wait_indirect_dma semaphore(%run_scoped3A : memref<!tpu.dma_semaphore, #tpu.memory_space<semaphore_mem>>) src(%arg8 : memref<2560x32xf32, #tpu.memory_space<vmem>>) dst(%dma_wait3A_60 : memref<10240x32xf32, #tpu.memory_space<vmem_shared>>)
        tpu.yield
      }) : () -> ()
    }
    %scan3A_32 = arith.constant 4 : i32
    %barrier3A_33 = arith.constant 0 : index
    tpu.barrier barrier_id(%barrier3A_33)
    %mul3A_34 = arith.constant 640 : i32
    %mul3A_35 = arith.muli %arg1, %mul3A_34 : i32
    %mul3A_36 = arith.constant 640 : i32
    %mul3A_37 = arith.muli %arg1, %mul3A_36 : i32
    "tpu.region"() ({
      %run_scoped3A = tpu.sem_alloc : memref<!tpu.dma_semaphore, #tpu.memory_space<semaphore_mem>>
      %dma_start3A = arith.constant 0 : i32
      %dma_start3A_38 = tpu.memref_slice %arg5[%arg0, %mul3A_37, %dma_start3A] : memref<2x10240x32xf32, #tpu.memory_space<hbm>> -> memref<1x640x32xf32, #tpu.memory_space<hbm>>
      %dma_start3A_39 = tpu.memref_squeeze %dma_start3A_38 : memref<1x640x32xf32, #tpu.memory_space<hbm>> -> memref<640x32xf32, #tpu.memory_space<hbm>>
      %dma_start3A_40 = arith.constant 0 : i32
      %dma_start3A_41 = tpu.memref_slice %arg10[%mul3A_35, %dma_start3A_40] : memref<10240x32xf32, #tpu.memory_space<vmem_shared>> -> memref<640x32xf32, #tpu.memory_space<vmem_shared>>
      tpu.enqueue_dma source(%dma_start3A_41 : memref<640x32xf32, #tpu.memory_space<vmem_shared>>) target(%dma_start3A_39 : memref<640x32xf32, #tpu.memory_space<hbm>>) target_semaphore(%run_scoped3A : memref<!tpu.dma_semaphore, #tpu.memory_space<semaphore_mem>>)
      %dma_wait3A = arith.constant 0 : i32
      %dma_wait3A_42 = tpu.memref_slice %arg5[%arg0, %mul3A_37, %dma_wait3A] : memref<2x10240x32xf32, #tpu.memory_space<hbm>> -> memref<1x640x32xf32, #tpu.memory_space<hbm>>
      %dma_wait3A_43 = tpu.memref_squeeze %dma_wait3A_42 : memref<1x640x32xf32, #tpu.memory_space<hbm>> -> memref<640x32xf32, #tpu.memory_space<hbm>>
      %dma_wait3A_44 = arith.constant 0 : i32
      %dma_wait3A_45 = tpu.memref_slice %arg10[%mul3A_35, %dma_wait3A_44] : memref<10240x32xf32, #tpu.memory_space<vmem_shared>> -> memref<640x32xf32, #tpu.memory_space<vmem_shared>>
      tpu.wait_dma2 semaphore(%run_scoped3A : memref<!tpu.dma_semaphore, #tpu.memory_space<semaphore_mem>>) src(%dma_wait3A_45 : memref<640x32xf32, #tpu.memory_space<vmem_shared>>) dst(%dma_wait3A_43 : memref<640x32xf32, #tpu.memory_space<hbm>>)
      tpu.yield
    }) : () -> ()
    return
  }
}

module attributes {stable_mosaic.version = 14 : i64} {
  func.func @_pre_body(%arg0: i32, %arg1: memref<2560x128xf32, #tpu.memory_space<vmem>>, %arg2: memref<128x64xf32, #tpu.memory_space<vmem>>, %arg3: memref<2x2560x1xf32, #tpu.memory_space<vmem>>, %arg4: memref<2560x1xf32, #tpu.memory_space<vmem>>, %arg5: memref<2560x64xf32, #tpu.memory_space<vmem>>) attributes {dimension_semantics = [#tpu.dimension_semantics<arbitrary>], iteration_bounds = array<i64: 4>, scalar_prefetch = 0 : i64, scratch_operands = 0 : i64, tpu.core_type = #tpu.core_type<tc>, window_params = [{transform_indices = @transform_0, window_bounds = array<i64: 2560, 128>}, {pipeline_mode = #tpu.pipeline_mode<synchronous>, transform_indices = @transform_1, window_bounds = array<i64: 128, 64>}, {transform_indices = @transform_2, window_bounds = array<i64: 2, 2560, 1>}, {transform_indices = @transform_3, window_bounds = array<i64: 2560, 1>}, {transform_indices = @transform_4, window_bounds = array<i64: 2560, 64>}]} {
    %get3A = arith.constant 0 : index
    %get3A_0 = arith.constant 0 : index
    %get3A_1 = arith.constant 0 : index
    %get3A_2 = vector.load %arg3[%get3A, %get3A_0, %get3A_1] : memref<2x2560x1xf32, #tpu.memory_space<vmem>>, vector<1x2560x1xf32>
    %get3A_3 = vector.shape_cast %get3A_2 : vector<1x2560x1xf32> to vector<2560x1xf32>
    %get3A_4 = arith.constant 1 : index
    %get3A_5 = arith.constant 0 : index
    %get3A_6 = arith.constant 0 : index
    %get3A_7 = vector.load %arg3[%get3A_4, %get3A_5, %get3A_6] : memref<2x2560x1xf32, #tpu.memory_space<vmem>>, vector<1x2560x1xf32>
    %get3A_8 = vector.shape_cast %get3A_7 : vector<1x2560x1xf32> to vector<2560x1xf32>
    %add3A = arith.addf %get3A_3, %get3A_8 : vector<2560x1xf32>
    %add3A_9 = arith.constant 1.000000e+00 : f32
    %add3A_10 = vector.broadcast %add3A_9 : f32 to vector<2560x1xf32>
    %add3A_11 = arith.addf %add3A, %add3A_10 : vector<2560x1xf32>
    %rsqrt3A = math.rsqrt %add3A_11 : vector<2560x1xf32>
    %swap3A = arith.constant 0 : index
    %swap3A_12 = arith.constant 0 : index
    %swap3A_13 = vector.load %arg4[%swap3A, %swap3A_12] : memref<2560x1xf32, #tpu.memory_space<vmem>>, vector<2560x1xf32>
    tpu.vector_store %arg4[%swap3A, %swap3A_12], %rsqrt3A {strides = array<i32>} : memref<2560x1xf32, #tpu.memory_space<vmem>>, vector<2560x1xf32>,
    %get3A_14 = arith.constant 0 : index
    %get3A_15 = arith.constant 0 : index
    %get3A_16 = vector.load %arg1[%get3A_14, %get3A_15] : memref<2560x128xf32, #tpu.memory_space<vmem>>, vector<2560x128xf32>
    %get3A_17 = arith.constant 0 : index
    %get3A_18 = arith.constant 0 : index
    %get3A_19 = vector.load %arg2[%get3A_17, %get3A_18] : memref<128x64xf32, #tpu.memory_space<vmem>>, vector<128x64xf32>
    %dot_general3A = arith.constant dense<0.000000e+00> : vector<2560x64xf32>
    %dot_general3A_20 = tpu.matmul %get3A_16, %get3A_19, %dot_general3A {dimension_numbers = #tpu.dot_dimension_numbers<[1], [0], [0], [1], [0, 0, 1, 1], [], []>, transpose_lhs_hint = false} : vector<2560x128xf32>, vector<128x64xf32>, vector<2560x64xf32> -> vector<2560x64xf32>
    %mul3A = vector.broadcast %rsqrt3A : vector<2560x1xf32> to vector<2560x64xf32>
    %mul3A_21 = arith.mulf %dot_general3A_20, %mul3A : vector<2560x64xf32>
    %swap3A_22 = arith.constant 0 : index
    %swap3A_23 = arith.constant 0 : index
    %swap3A_24 = vector.load %arg5[%swap3A_22, %swap3A_23] : memref<2560x64xf32, #tpu.memory_space<vmem>>, vector<2560x64xf32>
    tpu.vector_store %arg5[%swap3A_22, %swap3A_23], %mul3A_21 {strides = array<i32>} : memref<2560x64xf32, #tpu.memory_space<vmem>>, vector<2560x64xf32>,
    return
  }
  func.func @transform_0(%arg0: i32) -> (i32, i32) {
    %c0_i32 = arith.constant 0 : i32
    %c0_i32_0 = arith.constant 0 : i32
    return %arg0, %c0_i32 : i32, i32
  }
  func.func @transform_1(%arg0: i32) -> (i32, i32) {
    %c0_i32 = arith.constant 0 : i32
    %c0_i32_0 = arith.constant 0 : i32
    %c0_i32_1 = arith.constant 0 : i32
    return %c0_i32, %c0_i32_0 : i32, i32
  }
  func.func @transform_2(%arg0: i32) -> (i32, i32, i32) {
    %c0_i32 = arith.constant 0 : i32
    %c0_i32_0 = arith.constant 0 : i32
    %c0_i32_1 = arith.constant 0 : i32
    return %c0_i32, %arg0, %c0_i32_0 : i32, i32, i32
  }
  func.func @transform_3(%arg0: i32) -> (i32, i32) {
    %c0_i32 = arith.constant 0 : i32
    %c0_i32_0 = arith.constant 0 : i32
    return %arg0, %c0_i32 : i32, i32
  }
  func.func @transform_4(%arg0: i32) -> (i32, i32) {
    %c0_i32 = arith.constant 0 : i32
    %c0_i32_0 = arith.constant 0 : i32
    return %arg0, %c0_i32 : i32, i32
  }
}

module attributes {stable_mosaic.version = 14 : i64} {
  func.func @_layer_body(%arg0: i32, %arg1: memref<2x2560x64xf32, #tpu.memory_space<vmem>>, %arg2: memref<2560x64xf32, #tpu.memory_space<vmem>>, %arg3: memref<2560x1xf32, #tpu.memory_space<vmem>>, %arg4: memref<1x64xf32, #tpu.memory_space<vmem>>, %arg5: memref<64x32xf32, #tpu.memory_space<vmem>>, %arg6: memref<2560x32xf32, #tpu.memory_space<vmem>>) attributes {dimension_semantics = [#tpu.dimension_semantics<arbitrary>], iteration_bounds = array<i64: 4>, scalar_prefetch = 0 : i64, scratch_operands = 0 : i64, tpu.core_type = #tpu.core_type<tc>, window_params = [{transform_indices = @transform_0, window_bounds = array<i64: 2, 2560, 64>}, {transform_indices = @transform_1, window_bounds = array<i64: 2560, 64>}, {transform_indices = @transform_2, window_bounds = array<i64: 2560, 1>}, {pipeline_mode = #tpu.pipeline_mode<synchronous>, transform_indices = @transform_3, window_bounds = array<i64: 1, 64>}, {pipeline_mode = #tpu.pipeline_mode<synchronous>, transform_indices = @transform_4, window_bounds = array<i64: 64, 32>}, {transform_indices = @transform_5, window_bounds = array<i64: 2560, 32>}]} {
    %get3A = arith.constant 0 : index
    %get3A_0 = arith.constant 0 : index
    %get3A_1 = vector.load %arg3[%get3A, %get3A_0] : memref<2560x1xf32, #tpu.memory_space<vmem>>, vector<2560x1xf32>
    %get3A_2 = arith.constant 0 : index
    %get3A_3 = arith.constant 0 : index
    %get3A_4 = arith.constant 0 : index
    %get3A_5 = vector.load %arg1[%get3A_2, %get3A_3, %get3A_4] : memref<2x2560x64xf32, #tpu.memory_space<vmem>>, vector<1x2560x64xf32>
    %get3A_6 = vector.shape_cast %get3A_5 : vector<1x2560x64xf32> to vector<2560x64xf32>
    %get3A_7 = arith.constant 1 : index
    %get3A_8 = arith.constant 0 : index
    %get3A_9 = arith.constant 0 : index
    %get3A_10 = vector.load %arg1[%get3A_7, %get3A_8, %get3A_9] : memref<2x2560x64xf32, #tpu.memory_space<vmem>>, vector<1x2560x64xf32>
    %get3A_11 = vector.shape_cast %get3A_10 : vector<1x2560x64xf32> to vector<2560x64xf32>
    %add3A = arith.addf %get3A_6, %get3A_11 : vector<2560x64xf32>
    %get3A_12 = arith.constant 0 : index
    %get3A_13 = arith.constant 0 : index
    %get3A_14 = vector.load %arg2[%get3A_12, %get3A_13] : memref<2560x64xf32, #tpu.memory_space<vmem>>, vector<2560x64xf32>
    %add3A_15 = arith.addf %add3A, %get3A_14 : vector<2560x64xf32>
    %mul3A = vector.broadcast %get3A_1 : vector<2560x1xf32> to vector<2560x64xf32>
    %mul3A_16 = arith.mulf %add3A_15, %mul3A : vector<2560x64xf32>
    %get3A_17 = arith.constant 0 : index
    %get3A_18 = arith.constant 0 : index
    %get3A_19 = vector.load %arg4[%get3A_17, %get3A_18] : memref<1x64xf32, #tpu.memory_space<vmem>>, vector<1x64xf32>
    %add3A_20 = vector.broadcast %get3A_19 : vector<1x64xf32> to vector<2560x64xf32>
    %add3A_21 = arith.addf %mul3A_16, %add3A_20 : vector<2560x64xf32>
    %gt3A = arith.constant 0.000000e+00 : f32
    %gt3A_22 = vector.broadcast %gt3A : f32 to vector<2560x64xf32>
    %gt3A_23 = arith.cmpf ogt, %add3A_21, %gt3A_22 : vector<2560x64xf32>
    %mul3A_24 = arith.constant 2.000000e-01 : f32
    %mul3A_25 = vector.broadcast %mul3A_24 : f32 to vector<2560x64xf32>
    %mul3A_26 = arith.mulf %mul3A_25, %add3A_21 : vector<2560x64xf32>
    %select_n3A = arith.select %gt3A_23, %add3A_21, %mul3A_26 : vector<2560x64xi1>, vector<2560x64xf32>
    %get3A_27 = arith.constant 0 : index
    %get3A_28 = arith.constant 0 : index
    %get3A_29 = vector.load %arg5[%get3A_27, %get3A_28] : memref<64x32xf32, #tpu.memory_space<vmem>>, vector<64x32xf32>
    %dot_general3A = arith.constant dense<0.000000e+00> : vector<2560x32xf32>
    %dot_general3A_30 = tpu.matmul %select_n3A, %get3A_29, %dot_general3A {dimension_numbers = #tpu.dot_dimension_numbers<[1], [0], [0], [1], [0, 0, 1, 1], [], []>, transpose_lhs_hint = false} : vector<2560x64xf32>, vector<64x32xf32>, vector<2560x32xf32> -> vector<2560x32xf32>
    %mul3A_31 = vector.broadcast %get3A_1 : vector<2560x1xf32> to vector<2560x32xf32>
    %mul3A_32 = arith.mulf %dot_general3A_30, %mul3A_31 : vector<2560x32xf32>
    %swap3A = arith.constant 0 : index
    %swap3A_33 = arith.constant 0 : index
    %swap3A_34 = vector.load %arg6[%swap3A, %swap3A_33] : memref<2560x32xf32, #tpu.memory_space<vmem>>, vector<2560x32xf32>
    tpu.vector_store %arg6[%swap3A, %swap3A_33], %mul3A_32 {strides = array<i32>} : memref<2560x32xf32, #tpu.memory_space<vmem>>, vector<2560x32xf32>,
    return
  }
  func.func @transform_0(%arg0: i32) -> (i32, i32, i32) {
    %c0_i32 = arith.constant 0 : i32
    %c0_i32_0 = arith.constant 0 : i32
    %c0_i32_1 = arith.constant 0 : i32
    return %c0_i32, %arg0, %c0_i32_0 : i32, i32, i32
  }
  func.func @transform_1(%arg0: i32) -> (i32, i32) {
    %c0_i32 = arith.constant 0 : i32
    %c0_i32_0 = arith.constant 0 : i32
    return %arg0, %c0_i32 : i32, i32
  }
  func.func @transform_2(%arg0: i32) -> (i32, i32) {
    %c0_i32 = arith.constant 0 : i32
    %c0_i32_0 = arith.constant 0 : i32
    return %arg0, %c0_i32 : i32, i32
  }
  func.func @transform_3(%arg0: i32) -> (i32, i32) {
    %c0_i32 = arith.constant 0 : i32
    %c0_i32_0 = arith.constant 0 : i32
    %c0_i32_1 = arith.constant 0 : i32
    return %c0_i32, %c0_i32_0 : i32, i32
  }
  func.func @transform_4(%arg0: i32) -> (i32, i32) {
    %c0_i32 = arith.constant 0 : i32
    %c0_i32_0 = arith.constant 0 : i32
    %c0_i32_1 = arith.constant 0 : i32
    return %c0_i32, %c0_i32_0 : i32, i32
  }
  func.func @transform_5(%arg0: i32) -> (i32, i32) {
    %c0_i32 = arith.constant 0 : i32
    %c0_i32_0 = arith.constant 0 : i32
    return %arg0, %c0_i32 : i32, i32
  }
}

module attributes {stable_mosaic.version = 14 : i64} {
  func.func @_layer_body(%arg0: i32, %arg1: memref<2x2560x32xf32, #tpu.memory_space<vmem>>, %arg2: memref<2560x32xf32, #tpu.memory_space<vmem>>, %arg3: memref<2560x1xf32, #tpu.memory_space<vmem>>, %arg4: memref<1x32xf32, #tpu.memory_space<vmem>>, %arg5: memref<32x32xf32, #tpu.memory_space<vmem>>, %arg6: memref<2560x32xf32, #tpu.memory_space<vmem>>) attributes {dimension_semantics = [#tpu.dimension_semantics<arbitrary>], iteration_bounds = array<i64: 4>, scalar_prefetch = 0 : i64, scratch_operands = 0 : i64, tpu.core_type = #tpu.core_type<tc>, window_params = [{transform_indices = @transform_0, window_bounds = array<i64: 2, 2560, 32>}, {transform_indices = @transform_1, window_bounds = array<i64: 2560, 32>}, {transform_indices = @transform_2, window_bounds = array<i64: 2560, 1>}, {pipeline_mode = #tpu.pipeline_mode<synchronous>, transform_indices = @transform_3, window_bounds = array<i64: 1, 32>}, {pipeline_mode = #tpu.pipeline_mode<synchronous>, transform_indices = @transform_4, window_bounds = array<i64: 32, 32>}, {transform_indices = @transform_5, window_bounds = array<i64: 2560, 32>}]} {
    %get3A = arith.constant 0 : index
    %get3A_0 = arith.constant 0 : index
    %get3A_1 = vector.load %arg3[%get3A, %get3A_0] : memref<2560x1xf32, #tpu.memory_space<vmem>>, vector<2560x1xf32>
    %get3A_2 = arith.constant 0 : index
    %get3A_3 = arith.constant 0 : index
    %get3A_4 = arith.constant 0 : index
    %get3A_5 = vector.load %arg1[%get3A_2, %get3A_3, %get3A_4] : memref<2x2560x32xf32, #tpu.memory_space<vmem>>, vector<1x2560x32xf32>
    %get3A_6 = vector.shape_cast %get3A_5 : vector<1x2560x32xf32> to vector<2560x32xf32>
    %get3A_7 = arith.constant 1 : index
    %get3A_8 = arith.constant 0 : index
    %get3A_9 = arith.constant 0 : index
    %get3A_10 = vector.load %arg1[%get3A_7, %get3A_8, %get3A_9] : memref<2x2560x32xf32, #tpu.memory_space<vmem>>, vector<1x2560x32xf32>
    %get3A_11 = vector.shape_cast %get3A_10 : vector<1x2560x32xf32> to vector<2560x32xf32>
    %add3A = arith.addf %get3A_6, %get3A_11 : vector<2560x32xf32>
    %get3A_12 = arith.constant 0 : index
    %get3A_13 = arith.constant 0 : index
    %get3A_14 = vector.load %arg2[%get3A_12, %get3A_13] : memref<2560x32xf32, #tpu.memory_space<vmem>>, vector<2560x32xf32>
    %add3A_15 = arith.addf %add3A, %get3A_14 : vector<2560x32xf32>
    %mul3A = vector.broadcast %get3A_1 : vector<2560x1xf32> to vector<2560x32xf32>
    %mul3A_16 = arith.mulf %add3A_15, %mul3A : vector<2560x32xf32>
    %get3A_17 = arith.constant 0 : index
    %get3A_18 = arith.constant 0 : index
    %get3A_19 = vector.load %arg4[%get3A_17, %get3A_18] : memref<1x32xf32, #tpu.memory_space<vmem>>, vector<1x32xf32>
    %add3A_20 = vector.broadcast %get3A_19 : vector<1x32xf32> to vector<2560x32xf32>
    %add3A_21 = arith.addf %mul3A_16, %add3A_20 : vector<2560x32xf32>
    %gt3A = arith.constant 0.000000e+00 : f32
    %gt3A_22 = vector.broadcast %gt3A : f32 to vector<2560x32xf32>
    %gt3A_23 = arith.cmpf ogt, %add3A_21, %gt3A_22 : vector<2560x32xf32>
    %mul3A_24 = arith.constant 2.000000e-01 : f32
    %mul3A_25 = vector.broadcast %mul3A_24 : f32 to vector<2560x32xf32>
    %mul3A_26 = arith.mulf %mul3A_25, %add3A_21 : vector<2560x32xf32>
    %select_n3A = arith.select %gt3A_23, %add3A_21, %mul3A_26 : vector<2560x32xi1>, vector<2560x32xf32>
    %get3A_27 = arith.constant 0 : index
    %get3A_28 = arith.constant 0 : index
    %get3A_29 = vector.load %arg5[%get3A_27, %get3A_28] : memref<32x32xf32, #tpu.memory_space<vmem>>, vector<32x32xf32>
    %dot_general3A = arith.constant dense<0.000000e+00> : vector<2560x32xf32>
    %dot_general3A_30 = tpu.matmul %select_n3A, %get3A_29, %dot_general3A {dimension_numbers = #tpu.dot_dimension_numbers<[1], [0], [0], [1], [0, 0, 1, 1], [], []>, transpose_lhs_hint = false} : vector<2560x32xf32>, vector<32x32xf32>, vector<2560x32xf32> -> vector<2560x32xf32>
    %mul3A_31 = vector.broadcast %get3A_1 : vector<2560x1xf32> to vector<2560x32xf32>
    %mul3A_32 = arith.mulf %dot_general3A_30, %mul3A_31 : vector<2560x32xf32>
    %swap3A = arith.constant 0 : index
    %swap3A_33 = arith.constant 0 : index
    %swap3A_34 = vector.load %arg6[%swap3A, %swap3A_33] : memref<2560x32xf32, #tpu.memory_space<vmem>>, vector<2560x32xf32>
    tpu.vector_store %arg6[%swap3A, %swap3A_33], %mul3A_32 {strides = array<i32>} : memref<2560x32xf32, #tpu.memory_space<vmem>>, vector<2560x32xf32>,
    return
  }
  func.func @transform_0(%arg0: i32) -> (i32, i32, i32) {
    %c0_i32 = arith.constant 0 : i32
    %c0_i32_0 = arith.constant 0 : i32
    %c0_i32_1 = arith.constant 0 : i32
    return %c0_i32, %arg0, %c0_i32_0 : i32, i32, i32
  }
  func.func @transform_1(%arg0: i32) -> (i32, i32) {
    %c0_i32 = arith.constant 0 : i32
    %c0_i32_0 = arith.constant 0 : i32
    return %arg0, %c0_i32 : i32, i32
  }
  func.func @transform_2(%arg0: i32) -> (i32, i32) {
    %c0_i32 = arith.constant 0 : i32
    %c0_i32_0 = arith.constant 0 : i32
    return %arg0, %c0_i32 : i32, i32
  }
  func.func @transform_3(%arg0: i32) -> (i32, i32) {
    %c0_i32 = arith.constant 0 : i32
    %c0_i32_0 = arith.constant 0 : i32
    %c0_i32_1 = arith.constant 0 : i32
    return %c0_i32, %c0_i32_0 : i32, i32
  }
  func.func @transform_4(%arg0: i32) -> (i32, i32) {
    %c0_i32 = arith.constant 0 : i32
    %c0_i32_0 = arith.constant 0 : i32
    %c0_i32_1 = arith.constant 0 : i32
    return %c0_i32, %c0_i32_0 : i32, i32
  }
  func.func @transform_5(%arg0: i32) -> (i32, i32) {
    %c0_i32 = arith.constant 0 : i32
    %c0_i32_0 = arith.constant 0 : i32
    return %arg0, %c0_i32 : i32, i32
  }
}

module attributes {stable_mosaic.version = 14 : i64} {
  func.func @_final_body(%arg0: i32, %arg1: memref<2x2560x32xf32, #tpu.memory_space<vmem>>, %arg2: memref<2560x32xf32, #tpu.memory_space<vmem>>, %arg3: memref<2560x1xf32, #tpu.memory_space<vmem>>, %arg4: memref<1x32xf32, #tpu.memory_space<vmem>>, %arg5: memref<2560x16xf32, #tpu.memory_space<vmem>>, %arg6: memref<2560x16xf32, #tpu.memory_space<vmem>>, %arg7: memref<2560x16xf32, #tpu.memory_space<vmem>>, %arg8: memref<2560x16xf32, #tpu.memory_space<vmem>>) attributes {dimension_semantics = [#tpu.dimension_semantics<arbitrary>], iteration_bounds = array<i64: 4>, scalar_prefetch = 0 : i64, scratch_operands = 0 : i64, tpu.core_type = #tpu.core_type<tc>, window_params = [{transform_indices = @transform_0, window_bounds = array<i64: 2, 2560, 32>}, {transform_indices = @transform_1, window_bounds = array<i64: 2560, 32>}, {transform_indices = @transform_2, window_bounds = array<i64: 2560, 1>}, {pipeline_mode = #tpu.pipeline_mode<synchronous>, transform_indices = @transform_3, window_bounds = array<i64: 1, 32>}, {transform_indices = @transform_4, window_bounds = array<i64: 2560, 16>}, {transform_indices = @transform_5, window_bounds = array<i64: 2560, 16>}, {transform_indices = @transform_6, window_bounds = array<i64: 2560, 16>}, {transform_indices = @transform_7, window_bounds = array<i64: 2560, 16>}]} {
    %get3A = arith.constant 0 : index
    %get3A_0 = arith.constant 0 : index
    %get3A_1 = arith.constant 0 : index
    %get3A_2 = vector.load %arg1[%get3A, %get3A_0, %get3A_1] : memref<2x2560x32xf32, #tpu.memory_space<vmem>>, vector<1x2560x32xf32>
    %get3A_3 = vector.shape_cast %get3A_2 : vector<1x2560x32xf32> to vector<2560x32xf32>
    %get3A_4 = arith.constant 1 : index
    %get3A_5 = arith.constant 0 : index
    %get3A_6 = arith.constant 0 : index
    %get3A_7 = vector.load %arg1[%get3A_4, %get3A_5, %get3A_6] : memref<2x2560x32xf32, #tpu.memory_space<vmem>>, vector<1x2560x32xf32>
    %get3A_8 = vector.shape_cast %get3A_7 : vector<1x2560x32xf32> to vector<2560x32xf32>
    %add3A = arith.addf %get3A_3, %get3A_8 : vector<2560x32xf32>
    %get3A_9 = arith.constant 0 : index
    %get3A_10 = arith.constant 0 : index
    %get3A_11 = vector.load %arg2[%get3A_9, %get3A_10] : memref<2560x32xf32, #tpu.memory_space<vmem>>, vector<2560x32xf32>
    %add3A_12 = arith.addf %add3A, %get3A_11 : vector<2560x32xf32>
    %get3A_13 = arith.constant 0 : index
    %get3A_14 = arith.constant 0 : index
    %get3A_15 = vector.load %arg3[%get3A_13, %get3A_14] : memref<2560x1xf32, #tpu.memory_space<vmem>>, vector<2560x1xf32>
    %mul3A = vector.broadcast %get3A_15 : vector<2560x1xf32> to vector<2560x32xf32>
    %mul3A_16 = arith.mulf %add3A_12, %mul3A : vector<2560x32xf32>
    %get3A_17 = arith.constant 0 : index
    %get3A_18 = arith.constant 0 : index
    %get3A_19 = vector.load %arg4[%get3A_17, %get3A_18] : memref<1x32xf32, #tpu.memory_space<vmem>>, vector<1x32xf32>
    %add3A_20 = vector.broadcast %get3A_19 : vector<1x32xf32> to vector<2560x32xf32>
    %add3A_21 = arith.addf %mul3A_16, %add3A_20 : vector<2560x32xf32>
    %slice3A = vector.extract_strided_slice %add3A_21 {offsets = [0, 0], sizes = [2560, 16], strides = [1, 1]} : vector<2560x32xf32> to vector<2560x16xf32>
    %slice3A_22 = vector.extract_strided_slice %add3A_21 {offsets = [0, 16], sizes = [2560, 16], strides = [1, 1]} : vector<2560x32xf32> to vector<2560x16xf32>
    %swap3A = arith.constant 0 : index
    %swap3A_23 = arith.constant 0 : index
    %swap3A_24 = vector.load %arg6[%swap3A, %swap3A_23] : memref<2560x16xf32, #tpu.memory_space<vmem>>, vector<2560x16xf32>
    tpu.vector_store %arg6[%swap3A, %swap3A_23], %slice3A {strides = array<i32>} : memref<2560x16xf32, #tpu.memory_space<vmem>>, vector<2560x16xf32>,
    %swap3A_25 = arith.constant 0 : index
    %swap3A_26 = arith.constant 0 : index
    %swap3A_27 = vector.load %arg7[%swap3A_25, %swap3A_26] : memref<2560x16xf32, #tpu.memory_space<vmem>>, vector<2560x16xf32>
    tpu.vector_store %arg7[%swap3A_25, %swap3A_26], %slice3A_22 {strides = array<i32>} : memref<2560x16xf32, #tpu.memory_space<vmem>>, vector<2560x16xf32>,
    %get3A_28 = arith.constant 0 : index
    %get3A_29 = arith.constant 0 : index
    %get3A_30 = vector.load %arg5[%get3A_28, %get3A_29] : memref<2560x16xf32, #tpu.memory_space<vmem>>, vector<2560x16xf32>
    %exp3A = math.exp %slice3A_22 : vector<2560x16xf32>
    %mul3A_31 = arith.mulf %get3A_30, %exp3A : vector<2560x16xf32>
    %add3A_32 = arith.addf %mul3A_31, %slice3A : vector<2560x16xf32>
    %swap3A_33 = arith.constant 0 : index
    %swap3A_34 = arith.constant 0 : index
    %swap3A_35 = vector.load %arg8[%swap3A_33, %swap3A_34] : memref<2560x16xf32, #tpu.memory_space<vmem>>, vector<2560x16xf32>
    tpu.vector_store %arg8[%swap3A_33, %swap3A_34], %add3A_32 {strides = array<i32>} : memref<2560x16xf32, #tpu.memory_space<vmem>>, vector<2560x16xf32>,
    return
  }
  func.func @transform_0(%arg0: i32) -> (i32, i32, i32) {
    %c0_i32 = arith.constant 0 : i32
    %c0_i32_0 = arith.constant 0 : i32
    %c0_i32_1 = arith.constant 0 : i32
    return %c0_i32, %arg0, %c0_i32_0 : i32, i32, i32
  }
  func.func @transform_1(%arg0: i32) -> (i32, i32) {
    %c0_i32 = arith.constant 0 : i32
    %c0_i32_0 = arith.constant 0 : i32
    return %arg0, %c0_i32 : i32, i32
  }
  func.func @transform_2(%arg0: i32) -> (i32, i32) {
    %c0_i32 = arith.constant 0 : i32
    %c0_i32_0 = arith.constant 0 : i32
    return %arg0, %c0_i32 : i32, i32
  }
  func.func @transform_3(%arg0: i32) -> (i32, i32) {
    %c0_i32 = arith.constant 0 : i32
    %c0_i32_0 = arith.constant 0 : i32
    %c0_i32_1 = arith.constant 0 : i32
    return %c0_i32, %c0_i32_0 : i32, i32
  }
  func.func @transform_4(%arg0: i32) -> (i32, i32) {
    %c0_i32 = arith.constant 0 : i32
    %c0_i32_0 = arith.constant 0 : i32
    return %arg0, %c0_i32 : i32, i32
  }
  func.func @transform_5(%arg0: i32) -> (i32, i32) {
    %c0_i32 = arith.constant 0 : i32
    %c0_i32_0 = arith.constant 0 : i32
    return %arg0, %c0_i32 : i32, i32
  }
  func.func @transform_6(%arg0: i32) -> (i32, i32) {
    %c0_i32 = arith.constant 0 : i32
    %c0_i32_0 = arith.constant 0 : i32
    return %arg0, %c0_i32 : i32, i32
  }
  func.func @transform_7(%arg0: i32) -> (i32, i32) {
    %c0_i32 = arith.constant 0 : i32
    %c0_i32_0 = arith.constant 0 : i32
    return %arg0, %c0_i32 : i32, i32
  }
}

module attributes {stable_mosaic.version = 14 : i64} {
  func.func @_decoder_body(%arg0: i32, %arg1: i32, %arg2: memref<1024x16xf32, #tpu.memory_space<vmem>>, %arg3: memref<2048x16xf32, #tpu.memory_space<vmem>>, %arg4: memref<1024x2048xf32, #tpu.memory_space<vmem>>) attributes {dimension_semantics = [#tpu.dimension_semantics<arbitrary>, #tpu.dimension_semantics<arbitrary>], iteration_bounds = array<i64: 10, 5>, scalar_prefetch = 0 : i64, scratch_operands = 0 : i64, tpu.core_type = #tpu.core_type<tc>, window_params = [{transform_indices = @transform_0, window_bounds = array<i64: 1024, 16>}, {transform_indices = @transform_1, window_bounds = array<i64: 2048, 16>}, {transform_indices = @transform_2, window_bounds = array<i64: 1024, 2048>}]} {
    %get3A = arith.constant 0 : index
    %get3A_0 = arith.constant 0 : index
    %get3A_1 = vector.load %arg2[%get3A, %get3A_0] : memref<1024x16xf32, #tpu.memory_space<vmem>>, vector<1024x16xf32>
    %get3A_2 = arith.constant 0 : index
    %get3A_3 = arith.constant 0 : index
    %get3A_4 = vector.load %arg3[%get3A_2, %get3A_3] : memref<2048x16xf32, #tpu.memory_space<vmem>>, vector<2048x16xf32>
    %dot_general3A = arith.constant dense<0.000000e+00> : vector<1024x2048xf32>
    %dot_general3A_5 = tpu.matmul %get3A_1, %get3A_4, %dot_general3A {dimension_numbers = #tpu.dot_dimension_numbers<[1], [1], [0], [0], [0, 0, 1, 0], [], []>, transpose_lhs_hint = false} : vector<1024x16xf32>, vector<2048x16xf32>, vector<1024x2048xf32> -> vector<1024x2048xf32>
    %logistic3A = arith.negf %dot_general3A_5 : vector<1024x2048xf32>
    %logistic3A_6 = math.exp %logistic3A : vector<1024x2048xf32>
    %logistic3A_7 = arith.constant 1.000000e+00 : f32
    %logistic3A_8 = vector.broadcast %logistic3A_7 : f32 to vector<1024x2048xf32>
    %logistic3A_9 = arith.addf %logistic3A_8, %logistic3A_6 : vector<1024x2048xf32>
    %logistic3A_10 = arith.divf %logistic3A_8, %logistic3A_9 : vector<1024x2048xf32>
    %swap3A = arith.constant 0 : index
    %swap3A_11 = arith.constant 0 : index
    %swap3A_12 = vector.load %arg4[%swap3A, %swap3A_11] : memref<1024x2048xf32, #tpu.memory_space<vmem>>, vector<1024x2048xf32>
    tpu.vector_store %arg4[%swap3A, %swap3A_11], %logistic3A_10 {strides = array<i32>} : memref<1024x2048xf32, #tpu.memory_space<vmem>>, vector<1024x2048xf32>,
    return
  }
  func.func @transform_0(%arg0: i32, %arg1: i32) -> (i32, i32) {
    %c0_i32 = arith.constant 0 : i32
    %c0_i32_0 = arith.constant 0 : i32
    return %arg0, %c0_i32 : i32, i32
  }
  func.func @transform_1(%arg0: i32, %arg1: i32) -> (i32, i32) {
    %c0_i32 = arith.constant 0 : i32
    %c0_i32_0 = arith.constant 0 : i32
    return %arg1, %c0_i32 : i32, i32
  }
  func.func @transform_2(%arg0: i32, %arg1: i32) -> (i32, i32) {
    %c0_i32 = arith.constant 0 : i32
    return %arg0, %arg1 : i32, i32
  }
}

</mosaic_0001>

<sc_bundles>
// kernel: kernel.11.cloned.1.call-start
scs
__scs_entry_jumppad:
0x0: {  	(pc) =	sbr.rel $0x88, $3  }
0x1: {  	(tag) =	ssettag $0x0;
	lr =	simm.s32 $0x1  }
0x2: {  	[smem:$0x3F96] =	sst lr;
	_ =	strace $0xD0000000  }
0x3: {  	_ = 	snop  }
0x4: {  	_ = 	snop  }
0x5: {  	_ = 	snop  }
0x6: {  	_ = 	snop  }
0x7: {  	_ = 	snop  }
__scs_overlays_trampoline_lowered:
0x8: {  	[smem:$0x3FA5] =	sst s0  }
0x9: {  	[smem:$0x3FA6] =	sst s1  }
0xa: {  	[smem:$0x3FA7] =	sst s2  }
0xb: {  	[smem:$0x3FA8] =	sst s3  }
0xc: {  	[smem:$0x3FA9] =	sst s4  }
0xd: {  	[smem:$0x3FAA] =	sst s5  }
0xe: {  	[smem:$0x3FAB] =	sst s6  }
0xf: {  	[smem:$0x3FAC] =	sst s7  }
0x10: {  	[smem:$0x3FAD] =	sst s8  }
0x11: {  	[smem:$0x3FAE] =	sst s9;
	s0 =	simm.s32 @!p0 $0x0  }
0x12: {  	s1 =	sld [smem:$0x3F94];
	s0 =	simm.s32 @p0 $0x1  }
0x13: {  	[smem:$0x3FAF] =	sst s0;
	s0 =	simm.s32 @!p1 $0x0  }
0x14: {  	s2 =	sld [smem:$0x3F93];
	s0 =	simm.s32 @p1 $0x1  }
0x15: {  	[smem:$0x3FB0] =	sst s0;
	s0 =	simm.s32 @!p2 $0x0  }
0x16: {  	s3 =	sld [smem:$0x3FDB];
	s0 =	simm.s32 @p2 $0x1  }
0x17: {  	s4 =	simm.s32 $0x1BF5;
	[smem:$0x3FB2] =	sst s0  }
0x18: {  	s0 =	sld [smem:$0x3F95];
	_ =	swait.ge [sflag:s4], $0x0  }
0x19: {  	s7 =	sld [smem:$0x3F96]  }
0x1a: {  	s8 =	sadd.s32 $0xFFFFE003, lr  }
0x1b: {  	s9 =	sadd.s32 $0xFFFFFEF7, lr;
	s5 =	simm.s32 $0xFFFFFFFF;
	p2 =	slt.u32 s8, $0xFFFFF086  }
0x1c: {  	p1 =	slt.u32 s9, $0xF7A;
	s5 =	simm.s32 @!p2 $0x0  }
0x1d: {  	s5 =	simm.s32 @p1 $0x1;
	p0 =	seq.s32 s7, s2  }
0x1e: {  	s7 =	smul.u32 @!p0 $0xF7A, s2;
	p2 =	seq.s32 @!p0 s5, $0x0  }
0x1f: {  	s9 =	smul.u32 $0xF7A, s1;
	s8 =	simm.s32 @!p0 $0x1BF5;
	p2 =	por !p2, p0  }
0x20: {  	[sflag:s8] =	ssyncset.s32 @!p0 $0xFFFFF086;
	s6 =	sadd.s32 @!p0 s3, s7;
	s7 =	simm.s32 @!p0 $0x108  }
0x21: {  	s3 =	sadd.s32 s3, s9;
	s6 =	sadd.s32 @!p0 $0x88, s6;
	s7 =	simm.s32 @p2 $0x1082  }
0x22: {  	[simem:s7], [sflag:s8] =	dma.local @!p0 [hbm:s6], $0xF7A  }
0x23: {  	s9 =	sor.u32 $0xD0000000, s2;
	s6 =	simm.s32 $0x108;
	_ =	swait.ge @!p0 [sflag:s8], $0x0  }
0x24: {  	s3 =	sadd.s32 $0x88, s3;
	s6 =	simm.s32 @!p1 $0x1082;
	[sflag:s4] =	ssyncset.s32 $0xFFFFF086  }
0x25: {  	[simem:s6], [sflag:s4] =	dma.local [hbm:s3], $0xF7A  }
0x26: {  	[smem:$0x3F96] =	sst s1;
	(tag) =	ssettag s2;
	_ =	strace s9  }
0x27: {  	s1 =	sld [smem:$0x3FA6]  }
0x28: {  	s2 =	sld [smem:$0x3FA7]  }
0x29: {  	s4 =	sld [smem:$0x3FA9]  }
0x2a: {  	p0 =	seq.s32 s5, $0x0;
	s5 =	sld [smem:$0x3FAA]  }
0x2b: {  	s6 =	sld [smem:$0x3FAB]  }
0x2c: {  	s7 =	sld [smem:$0x3FAC]  }
0x2d: {  	s3 =	simm.s32 $0x108;
	s8 =	sld [smem:$0x3FAD]  }
0x2e: {  	s3 =	simm.s32 @!p0 $0x1082;
	s9 =	sld [smem:$0x3FAE]  }
0x2f: {  	lr =	sadd.s32 s0, s3;
	s0 =	sld [smem:$0x3FA5]  }
0x30: {  	s3 =	sld [smem:$0x3FA8]  }
0x31: {  	[smem:$0x3FB1] =	sst s10  }
0x32: {  	s10 =	sld [smem:$0x3FAF];
	_ =	sdelay $0x3  }
0x33: {  	p0 =	seq.s32 s10, $0x1;
	s10 =	sld [smem:$0x3FB1];
	_ =	sdelay $0x3  }
0x34: {  	[smem:$0x3FB1] =	sst s10  }
0x35: {  	s10 =	sld [smem:$0x3FB0];
	_ =	sdelay $0x3  }
0x36: {  	p1 =	seq.s32 s10, $0x1;
	s10 =	sld [smem:$0x3FB1];
	_ =	sdelay $0x3  }
0x37: {  	[smem:$0x3FB1] =	sst s10  }
0x38: {  	s10 =	sld [smem:$0x3FB2]  }
0x39: {  	_ = 	snop;
	(pc) =	sbr.ind lr, $3  }
0x3a: {  	_ = 	snop  }
0x3b: {  	_ = 	snop  }
0x3c: {  	p2 =	seq.s32 s10, $0x1;
	s10 =	sld [smem:$0x3FB1]  }
0x3d: {  	_ =	shalt  }
0x3e: {  	_ =	shalt  }
0x3f: {  	_ =	shalt  }
0x40: {  	_ =	shalt  }
0x41: {  	_ =	shalt  }
0x42: {  	_ =	shalt  }
0x43: {  	_ =	shalt  }
0x44: {  	_ =	shalt  }
0x45: {  	_ =	shalt  }
0x46: {  	_ =	shalt  }
0x47: {  	_ =	shalt  }
0x48: {  	_ =	shalt  }
0x49: {  	_ =	shalt  }
0x4a: {  	_ =	shalt  }
0x4b: {  	_ =	shalt  }
0x4c: {  	_ =	shalt  }
0x4d: {  	_ =	shalt  }
0x4e: {  	_ =	shalt  }
0x4f: {  	_ =	shalt  }
0x50: {  	_ =	shalt  }
0x51: {  	_ =	shalt  }
0x52: {  	_ =	shalt  }
0x53: {  	_ =	shalt  }
0x54: {  	_ =	shalt  }
0x55: {  	_ =	shalt  }
0x56: {  	_ =	shalt  }
0x57: {  	_ =	shalt  }
0x58: {  	_ =	shalt  }
0x59: {  	_ =	shalt  }
0x5a: {  	_ =	shalt  }
0x5b: {  	_ =	shalt  }
0x5c: {  	_ =	shalt  }
0x5d: {  	_ =	shalt  }
0x5e: {  	_ =	shalt  }
0x5f: {  	_ =	shalt  }
0x60: {  	_ =	shalt  }
0x61: {  	_ =	shalt  }
0x62: {  	_ =	shalt  }
0x63: {  	_ =	shalt  }
0x64: {  	_ =	shalt  }
0x65: {  	_ =	shalt  }
0x66: {  	_ =	shalt  }
0x67: {  	_ =	shalt  }
0x68: {  	_ =	shalt  }
0x69: {  	_ =	shalt  }
0x6a: {  	_ =	shalt  }
0x6b: {  	_ =	shalt  }
0x6c: {  	_ =	shalt  }
0x6d: {  	_ =	shalt  }
0x6e: {  	_ =	shalt  }
0x6f: {  	_ =	shalt  }
0x70: {  	_ =	shalt  }
0x71: {  	_ =	shalt  }
0x72: {  	_ =	shalt  }
0x73: {  	_ =	shalt  }
0x74: {  	_ =	shalt  }
0x75: {  	_ =	shalt  }
0x76: {  	_ =	shalt  }
0x77: {  	_ =	shalt  }
0x78: {  	_ =	shalt  }
0x79: {  	_ =	shalt  }
0x7a: {  	_ =	shalt  }
0x7b: {  	_ =	shalt  }
0x7c: {  	_ =	shalt  }
0x7d: {  	_ =	shalt  }
0x7e: {  	_ =	shalt  }
0x7f: {  	_ =	shalt  }
0x80: {  	_ =	shalt  }
0x81: {  	_ =	shalt  }
0x82: {  	_ =	shalt  }
0x83: {  	_ =	shalt  }
0x84: {  	_ =	shalt  }
0x85: {  	_ =	shalt  }
0x86: {  	_ =	shalt  }
0x87: {  	_ =	shalt  }
.Lfunc_end0:
.L_simem_size_0:
called_computation_lowered:
.L_overlay_start_0:
0x88: {  	s2 =	sld [smem:$0x3FD9]  }
0x89: {  	s3 =	sld [smem:$0x3FFE];
	_ =	sdelay $0x1  }
0x8a: {  	s1 =	srdreg.scid  }
0x8b: {  	s0 =	sand.u32 $0x1, s1  }
0x8c: {  	s14 =	sshll.u32 s0, $0xA;
	s2 =	sadd.s32 s3, s2  }
0x8d: {  	s2 =	sadd.s32 s2, s14  }
0x8e: {  	[smem:$0x3FBD] =	sst s2  }
0x8f: {  	_ = 	snop  }
0x90: {  	s2 =	sld [smem:$0x3FD0];
	_ =	sdelay $0x2  }
0x91: {  	s15 =	simm.s32 $0xA;
	s4 =	simm.s32 $0x10  }
0x92: {  	[smem:s4], [sflag:s15] =	dma.local [hbm:s2], $0x1  }
0x93: {  	_ =	swait.eq [sflag:s15], $0x1  }
0x94: {  	[sflag:s15] =	ssyncset.done $0x0  }
0x95: {  	s16 =	sld [smem:$0x11];
	[sflag:s15] =	ssyncadd.s32 $0xFFFFFFFF  }
0x96: {  	s17 =	sld [smem:$0x12];
	(tm) =	ssettm $0x1  }
0x97: {  	s18 =	sld [smem:$0x3FFB];
	_ =	sdelay $0x3  }
0x98: {  	_ =	strace s18  }
0x99: {  	s4 =	sld [smem:$0x3FFC];
	_ =	sdelay $0x3  }
0x9a: {  	_ =	strace s4  }
0x9b: {  	s4 =	sld [smem:$0x3FFD];
	_ =	sdelay $0x3  }
0x9c: {  	_ =	strace s4  }
0x9d: {  	_ =	strace $0x8FFFFFFF  }
0x9e: {  	s19 =	sld [smem:$0x3FDB];
	_ =	sdelay $0x1  }
0x9f: {  	s5 =	simm.s32 $_scs_section_size  }
0xa0: {  	s6 =	simm.s32 $_size__tile_overlayer_lowered;
	s7 =	simm.s32 $_tile_overlayer_lowered  }
0xa1: {  	s22 =	simm.s32 $0x1BFF;
	s21 =	sshll.u32 s7, $0x1;
	s4 =	sadd.s32 s5, s19  }
0xa2: {  	s8 =	simm.s32 $0x0;
	s20 =	sshll.u32 s6, $0x1;
	s6 =	sadd.s32 s21, s4  }
0xa3: {  	[timem:s8], [sflag:s22] =	dma.local [hbm:s6], s20  }
0xa4: {  	_ =	swait.ge [sflag:s22], s20  }
0xa5: {  	s5 =	ssub.s32 $0x0, s20;
	[sflag:s22] =	ssyncset.done $0x0  }
0xa6: {  	[sflag:s22] =	ssyncadd.s32 s5;
	_ =	sdelay $0x1  }
0xa7: {  	s23 =	simm.s32 $0x1B8B  }
0xa8: {  	_ =	swait.ge [sflag:s23], $0x1  }
0xa9: {  	[sflag:s23] =	ssyncset.done $0x0  }
0xaa: {  	s25 =	simm.s32 $0x1B8E;
	s24 =	sld [smem:$0x3FFE];
	[sflag:s23] =	ssyncadd.s32 $0xFFFFFFFF  }
0xab: {  	s26 =	simm.s32 $execute0_lowered;
	[smem:$0x3FD2] =	sst s25  }
0xac: {  	s6 =	sshll.u32 s26, $0x1;
	_ =	strace $0x80000046;
	[dreg:$0x1] =	wrdreg $0xFFFFFFFF  }
0xad: {  	s28 =	simm.s32 $_size_execute0_lowered;
	s4 =	sadd.s32 s4, s6;
	[dreg:$0x0] =	wrdreg $0x0  }
0xae: {  	s6 =	sshll.u32 s28, $0x1;
	[dreg:$0x2] =	wrdreg s4  }
0xaf: {  	[dreg:$0x3] =	wrdreg s6  }
0xb0: {  	[dreg:$0x4] =	wrdreg $0xC0  }
0xb1: {  	_ =	task [dreg:s8], $0x5FFFF  }
0xb2: {  	[dreg:$0x1] =	wrdreg $0xFFFFFFFF  }
0xb3: {  	[dreg:$0x0] =	wrdreg $0x60  }
0xb4: {  	[dreg:$0x2] =	wrdreg s24  }
0xb5: {  	[dreg:$0x3] =	wrdreg s16  }
0xb6: {  	[dreg:$0x4] =	wrdreg s17  }
0xb7: {  	[dreg:$0x5] =	wrdreg $0x28800  }
0xb8: {  	[dreg:$0x6] =	wrdreg $0x9  }
0xb9: {  	_ =	task.clear_ibuf [dreg:s8], $0x7FFFF;
	_ =	strace $0x90000046  }
0xba: {  	s29 =	simm.s32 $0x9;
	_ =	strace $0x80000048  }
0xbb: {  	_ =	swait.ge [sflag:s29], $0x1  }
0xbc: {  	[sflag:s29] =	ssyncadd.s32 $0xFFFFFFFF  }
0xbd: {  	_ =	strace $0x90000048  }
0xbe: {  	_ =	sfence  }
0xbf: {  	s30 =	sld [smem:$0x0];
	_ =	sdelay $0x2  }
0xc0: {  	s31 =	sshll.u32 s1, $0xD;
	s1 =	sshrl.u32 s1, $0x2  }
0xc1: {  	s3 =	sand.u32 $0x4000, s31;
	s1 =	sadd.s32 s1, s30  }
0xc2: {  	s0 =	sor.u32 s3, s0;
	s1 =	sshll.u32 s1, $0x11  }
0xc3: {  	s0 =	sor.u32 s1, s0  }
0xc4: {  	s0 =	sadd.s32 $0x8F2B, s0  }
0xc5: {  	[sflag:s0] =	ssyncadd.remote.s32 $0x1  }
0xc6: {  	_ =	sfence.sel $0xFFFF  }
0xc7: {  	[dreg:$0x0] =	wrdreg $0xFFFFFFFF;
	(pc) =	sbr.abs _section_cstart, $3  }
0xc8: {  	[dreg:$0x1] =	wrdreg $0xFFFFFFFF  }
0xc9: {  	_ =	task.clear_ibuf [dreg:s8], $0x2FFFF;
	_ =	strace $0x9FFFFFFF  }
0xca: {  	(tm) =	ssettm $0x7FFFFFFF  }
0xcb: {  	_ =	shalt  }
tec
execute0_lowered:
.L_overlay_start_1:
0x0: {  	(tag) =	ssettag $0x1  }
0x1: {  	s5 =	rddreg [dreg:$0x0]  }
0x2: {  	s1 =	rddreg [dreg:$0x1]  }
0x3: {  	s7 =	rddreg [dreg:$0x2]  }
0x4: {  	s0 =	srdreg.scid;
	s3 =	rddreg [dreg:$0x3];
	s4 =	simm.s32 $0x0  }
0x5: {  	s12 =	simm.s32 $0x2800;
	s6 =	sand.u32 $0x1, s0;
	s0 =	stileid.u32  }
0x6: {  	s13 =	simm.s32 $0x0;
	[smem:$0x7FF] =	sst s4;
	s9 =	smul.u32 $0x280, s0  }
0x7: {  	s2 =	sshll.u32 s6, $0x4;
	s10 =	ssub.s32 $0x2, s6;
	s6 =	smul.u32 $0x2800, s6  }
0x8: {  	s31 =	sshll.u32 s0, $0x6;
	s2 =	sor.u32 s0, s2;
	s11 =	sshrl.u32 s10, $0x1  }
0x9: {  	s8 =	smul.u32 $0x500, s2;
	s2 =	rddreg [dreg:$0x4];
	_ =	strace $0x80000047  }
0xa: {  	s29 =	ssub.s32 s10, s11;
	s6 =	sadd.s32 s9, s6;
	s30 =	sadd.s32 s9, s3  }
0xb: {  	s9 =	sor.u32 $0x1C01, s31;
	s11 =	simm.s32 $0x80;
	s6 =	sshrl.u32 s6, $0x3  }
0xc: {  	s10 =	sshrl.u32 s30, $0x3;
	s5 =	sadd.s32 s8, s5;
	s6 =	sadd.s32 s7, s6  }
0xd: {  	v0 =	vimm.f32 $1.000000000e+00;
	s7 =	smax.u32 s29, $0x1;
	s8 =	simm.s32 $0x1;
	s5 =	sadd.s32 $0x2A00, s5  }
.LBB2_1:
0xe: {  	[tilespmem:s4], [sflag:$0x1] =	stream.linear.gather [hbm4b:s5+s4], $0x2800, $0x38;
	[tilespmem:$0x2B00] =	vst v63  }
0xf: {  	_ =	swait.ge [sflag:s8], $0x2800  }
0x10: {  	[sflag:s8] =	ssyncset.done $0x0  }
0x11: {  	[sflag:s8] =	ssyncadd.s32 $0xFFFFD800  }
0x12: {  	[tilespmem:$0x2800] =	vst v0  }
0x13: {  	[tilespmem:$0x2810] =	vst v0  }
0x14: {  	[tilespmem:$0x2820] =	vst v0  }
0x15: {  	[tilespmem:$0x2830] =	vst v0  }
0x16: {  	[tilespmem:$0x2840] =	vst v0  }
0x17: {  	[tilespmem:$0x2850] =	vst v0  }
0x18: {  	[tilespmem:$0x2860] =	vst v0  }
0x19: {  	[tilespmem:$0x2870] =	vst v0  }
0x1a: {  	[spmem:s10], [sflag:s9] =	dma.local [hbm:s1], $0x50  }
0x1b: {  	_ =	swait.ge [sflag:s8], $0x50  }
0x1c: {  	[sflag:s8] =	ssyncset.done $0x0  }
0x1d: {  	[sflag:s8] =	ssyncadd.s32 $0xFFFFFFB0  }
0x1e: {  	s14 =	simm.s32 $0x0;
	[bflag:$0x0] =	sbarrier.arrive $0xFFFF  }
0x1f: {  	[spmem:s3] =	stream.indirect.scatter.add.f32 [tilespmem:s12], [sflag:$0x1], $0x1, s14, s11, $0xb8;
	[tilespmem:$0x2B00] =	vst v63  }
0x20: {  	_ =	swait.ge [sflag:s8], $0x80  }
0x21: {  	s14 =	simm.s32 $0x200;
	[sflag:s8] =	ssyncset.done $0x0  }
.LBB2_2:
0x22: {  	s15 =	sshra.s32 s14, $0x2;
	[sflag:s8] =	ssyncadd.s32 $0xFFFFFF80;
	p0 =	sne.s32 s14, $0x9E00  }
0x23: {  	[spmem:s3] =	stream.indirect.scatter.add.f32 [tilespmem:s12], [sflag:$0x1], $0x1, s15, s11, $0xb8;
	[tilespmem:$0x2B00] =	vst v63  }
.Ltmp0:
0x24: {  	_ = 	snop;
	(pc) =	sbr.rel @p0 .LBB2_2-.Ltmp0, $4  }
0x25: {  	_ = 	snop  }
0x26: {  	s14 =	sadd.s32 $0x200, s14  }
0x27: {  	_ =	swait.ge [sflag:s8], $0x80  }
0x28: {  	[sflag:s8] =	ssyncset.done $0x0  }
0x29: {  	s13 =	sadd.s32 $0x1, s13  }
0x2a: {  	[sflag:s8] =	ssyncadd.s32 $0xFFFFFF80;
	p0 =	sne.s32 s13, s7  }
.Ltmp1:
0x2b: {  	[bflag:$0x0] =	sbarrier.arrive $0xFFFF;
	(pc) =	sbr.rel @p0 .LBB2_1-.Ltmp1, $4  }
0x2c: {  	[hbm:s6], [sflag:s9] =	dma.local [spmem:s10], $0x50  }
0x2d: {  	_ =	swait.ge [sflag:s8], $0x50  }
0x2e: {  	[sflag:s8] =	ssyncset.done $0x0  }
0x2f: {  	[sflag:s8] =	ssyncadd.s32 $0xFFFFFFB0  }
0x30: {  	_ =	sfence.sel $0x180000  }
0x31: {  	[bflag:$0x0] =	sbarrier.arrive $0xFFFF  }
0x32: {  	p0 =	sne.s32 s0, $0x0;
	_ =	strace $0x90000047  }
0x33: {  	s0 =	sadd.s32 @!p0 $0x100000, s2;
	[bflag:$0x2] =	sbarrier.arrive $0xFFFF  }
0x34: {  	[sflag:s0] =	ssyncadd.tile.s32 @!p0 $0x1;
	_ =	shalt  }
.Lfunc_end2:
_tile_overlayer_lowered:
.L_overlay_start_2:
0x35: {  	(tag) =	ssettag $0x2  }
0x36: {  	s0 =	rddreg [dreg:$0x0];
	s2 =	stileid.u32  }
0x37: {  	s1 =	rddreg [dreg:$0x1];
	p0 =	sne.s32 s2, $0x0  }
0x38: {  	s3 =	rddreg [dreg:$0x2];
	[bflag:$0x3] =	sbarrier.arrive $0xFFFF;
	s2 =	simm.s32 @!p0 $0x1C01  }
0x39: {  	[timem:s3], [sflag:s2] =	dma.local @!p0 [hbm:s0], s1  }
0x3a: {  	s0 =	simm.s32 @!p0 $0x1  }
0x3b: {  	_ =	swait.ge @!p0 [sflag:s0], s1  }
0x3c: {  	s1 =	ssub.s32 @!p0 $0x0, s1;
	[sflag:s0] =	ssyncset.done @!p0 $0x0  }
0x3d: {  	[sflag:s0] =	ssyncadd.s32 @!p0 s1  }
0x3e: {  	[bflag:$0x3] =	sbarrier.arrive $0xFFFF  }
0x3f: {  	_ =	shalt  }

// kernel: kernel.14.cloned.1.call-start
scs
__scs_entry_jumppad:
0x0: {  	(pc) =	sbr.rel $0x88, $3  }
0x1: {  	(tag) =	ssettag $0x0;
	lr =	simm.s32 $0x1  }
0x2: {  	[smem:$0x3F96] =	sst lr;
	_ =	strace $0xD0000000  }
0x3: {  	_ = 	snop  }
0x4: {  	_ = 	snop  }
0x5: {  	_ = 	snop  }
0x6: {  	_ = 	snop  }
0x7: {  	_ = 	snop  }
__scs_overlays_trampoline_lowered:
0x8: {  	[smem:$0x3FA5] =	sst s0  }
0x9: {  	[smem:$0x3FA6] =	sst s1  }
0xa: {  	[smem:$0x3FA7] =	sst s2  }
0xb: {  	[smem:$0x3FA8] =	sst s3  }
0xc: {  	[smem:$0x3FA9] =	sst s4  }
0xd: {  	[smem:$0x3FAA] =	sst s5  }
0xe: {  	[smem:$0x3FAB] =	sst s6  }
0xf: {  	[smem:$0x3FAC] =	sst s7  }
0x10: {  	[smem:$0x3FAD] =	sst s8  }
0x11: {  	[smem:$0x3FAE] =	sst s9;
	s0 =	simm.s32 @!p0 $0x0  }
0x12: {  	s1 =	sld [smem:$0x3F94];
	s0 =	simm.s32 @p0 $0x1  }
0x13: {  	[smem:$0x3FAF] =	sst s0;
	s0 =	simm.s32 @!p1 $0x0  }
0x14: {  	s2 =	sld [smem:$0x3F93];
	s0 =	simm.s32 @p1 $0x1  }
0x15: {  	[smem:$0x3FB0] =	sst s0;
	s0 =	simm.s32 @!p2 $0x0  }
0x16: {  	s3 =	sld [smem:$0x3FDB];
	s0 =	simm.s32 @p2 $0x1  }
0x17: {  	s4 =	simm.s32 $0x1BF5;
	[smem:$0x3FB2] =	sst s0  }
0x18: {  	s0 =	sld [smem:$0x3F95];
	_ =	swait.ge [sflag:s4], $0x0  }
0x19: {  	s7 =	sld [smem:$0x3F96]  }
0x1a: {  	s8 =	sadd.s32 $0xFFFFE003, lr  }
0x1b: {  	s9 =	sadd.s32 $0xFFFFFEF7, lr;
	s5 =	simm.s32 $0xFFFFFFFF;
	p2 =	slt.u32 s8, $0xFFFFF086  }
0x1c: {  	p1 =	slt.u32 s9, $0xF7A;
	s5 =	simm.s32 @!p2 $0x0  }
0x1d: {  	s5 =	simm.s32 @p1 $0x1;
	p0 =	seq.s32 s7, s2  }
0x1e: {  	s7 =	smul.u32 @!p0 $0xF7A, s2;
	p2 =	seq.s32 @!p0 s5, $0x0  }
0x1f: {  	s9 =	smul.u32 $0xF7A, s1;
	s8 =	simm.s32 @!p0 $0x1BF5;
	p2 =	por !p2, p0  }
0x20: {  	[sflag:s8] =	ssyncset.s32 @!p0 $0xFFFFF086;
	s6 =	sadd.s32 @!p0 s3, s7;
	s7 =	simm.s32 @!p0 $0x108  }
0x21: {  	s3 =	sadd.s32 s3, s9;
	s6 =	sadd.s32 @!p0 $0x88, s6;
	s7 =	simm.s32 @p2 $0x1082  }
0x22: {  	[simem:s7], [sflag:s8] =	dma.local @!p0 [hbm:s6], $0xF7A  }
0x23: {  	s9 =	sor.u32 $0xD0000000, s2;
	s6 =	simm.s32 $0x108;
	_ =	swait.ge @!p0 [sflag:s8], $0x0  }
0x24: {  	s3 =	sadd.s32 $0x88, s3;
	s6 =	simm.s32 @!p1 $0x1082;
	[sflag:s4] =	ssyncset.s32 $0xFFFFF086  }
0x25: {  	[simem:s6], [sflag:s4] =	dma.local [hbm:s3], $0xF7A  }
0x26: {  	[smem:$0x3F96] =	sst s1;
	(tag) =	ssettag s2;
	_ =	strace s9  }
0x27: {  	s1 =	sld [smem:$0x3FA6]  }
0x28: {  	s2 =	sld [smem:$0x3FA7]  }
0x29: {  	s4 =	sld [smem:$0x3FA9]  }
0x2a: {  	p0 =	seq.s32 s5, $0x0;
	s5 =	sld [smem:$0x3FAA]  }
0x2b: {  	s6 =	sld [smem:$0x3FAB]  }
0x2c: {  	s7 =	sld [smem:$0x3FAC]  }
0x2d: {  	s3 =	simm.s32 $0x108;
	s8 =	sld [smem:$0x3FAD]  }
0x2e: {  	s3 =	simm.s32 @!p0 $0x1082;
	s9 =	sld [smem:$0x3FAE]  }
0x2f: {  	lr =	sadd.s32 s0, s3;
	s0 =	sld [smem:$0x3FA5]  }
0x30: {  	s3 =	sld [smem:$0x3FA8]  }
0x31: {  	[smem:$0x3FB1] =	sst s10  }
0x32: {  	s10 =	sld [smem:$0x3FAF];
	_ =	sdelay $0x3  }
0x33: {  	p0 =	seq.s32 s10, $0x1;
	s10 =	sld [smem:$0x3FB1];
	_ =	sdelay $0x3  }
0x34: {  	[smem:$0x3FB1] =	sst s10  }
0x35: {  	s10 =	sld [smem:$0x3FB0];
	_ =	sdelay $0x3  }
0x36: {  	p1 =	seq.s32 s10, $0x1;
	s10 =	sld [smem:$0x3FB1];
	_ =	sdelay $0x3  }
0x37: {  	[smem:$0x3FB1] =	sst s10  }
0x38: {  	s10 =	sld [smem:$0x3FB2]  }
0x39: {  	_ = 	snop;
	(pc) =	sbr.ind lr, $3  }
0x3a: {  	_ = 	snop  }
0x3b: {  	_ = 	snop  }
0x3c: {  	p2 =	seq.s32 s10, $0x1;
	s10 =	sld [smem:$0x3FB1]  }
0x3d: {  	_ =	shalt  }
0x3e: {  	_ =	shalt  }
0x3f: {  	_ =	shalt  }
0x40: {  	_ =	shalt  }
0x41: {  	_ =	shalt  }
0x42: {  	_ =	shalt  }
0x43: {  	_ =	shalt  }
0x44: {  	_ =	shalt  }
0x45: {  	_ =	shalt  }
0x46: {  	_ =	shalt  }
0x47: {  	_ =	shalt  }
0x48: {  	_ =	shalt  }
0x49: {  	_ =	shalt  }
0x4a: {  	_ =	shalt  }
0x4b: {  	_ =	shalt  }
0x4c: {  	_ =	shalt  }
0x4d: {  	_ =	shalt  }
0x4e: {  	_ =	shalt  }
0x4f: {  	_ =	shalt  }
0x50: {  	_ =	shalt  }
0x51: {  	_ =	shalt  }
0x52: {  	_ =	shalt  }
0x53: {  	_ =	shalt  }
0x54: {  	_ =	shalt  }
0x55: {  	_ =	shalt  }
0x56: {  	_ =	shalt  }
0x57: {  	_ =	shalt  }
0x58: {  	_ =	shalt  }
0x59: {  	_ =	shalt  }
0x5a: {  	_ =	shalt  }
0x5b: {  	_ =	shalt  }
0x5c: {  	_ =	shalt  }
0x5d: {  	_ =	shalt  }
0x5e: {  	_ =	shalt  }
0x5f: {  	_ =	shalt  }
0x60: {  	_ =	shalt  }
0x61: {  	_ =	shalt  }
0x62: {  	_ =	shalt  }
0x63: {  	_ =	shalt  }
0x64: {  	_ =	shalt  }
0x65: {  	_ =	shalt  }
0x66: {  	_ =	shalt  }
0x67: {  	_ =	shalt  }
0x68: {  	_ =	shalt  }
0x69: {  	_ =	shalt  }
0x6a: {  	_ =	shalt  }
0x6b: {  	_ =	shalt  }
0x6c: {  	_ =	shalt  }
0x6d: {  	_ =	shalt  }
0x6e: {  	_ =	shalt  }
0x6f: {  	_ =	shalt  }
0x70: {  	_ =	shalt  }
0x71: {  	_ =	shalt  }
0x72: {  	_ =	shalt  }
0x73: {  	_ =	shalt  }
0x74: {  	_ =	shalt  }
0x75: {  	_ =	shalt  }
0x76: {  	_ =	shalt  }
0x77: {  	_ =	shalt  }
0x78: {  	_ =	shalt  }
0x79: {  	_ =	shalt  }
0x7a: {  	_ =	shalt  }
0x7b: {  	_ =	shalt  }
0x7c: {  	_ =	shalt  }
0x7d: {  	_ =	shalt  }
0x7e: {  	_ =	shalt  }
0x7f: {  	_ =	shalt  }
0x80: {  	_ =	shalt  }
0x81: {  	_ =	shalt  }
0x82: {  	_ =	shalt  }
0x83: {  	_ =	shalt  }
0x84: {  	_ =	shalt  }
0x85: {  	_ =	shalt  }
0x86: {  	_ =	shalt  }
0x87: {  	_ =	shalt  }
.Lfunc_end0:
.L_simem_size_0:
called_computation.1_lowered:
.L_overlay_start_0:
0x88: {  	s2 =	sld [smem:$0x3FD9]  }
0x89: {  	s3 =	sld [smem:$0x3FFE];
	_ =	sdelay $0x1  }
0x8a: {  	s1 =	srdreg.scid  }
0x8b: {  	s0 =	sand.u32 $0x1, s1  }
0x8c: {  	s14 =	sshll.u32 s0, $0xA;
	s2 =	sadd.s32 s3, s2  }
0x8d: {  	s2 =	sadd.s32 s2, s14  }
0x8e: {  	[smem:$0x3FBD] =	sst s2  }
0x8f: {  	_ = 	snop  }
0x90: {  	s2 =	sld [smem:$0x3FD0];
	_ =	sdelay $0x2  }
0x91: {  	s15 =	simm.s32 $0xA;
	s4 =	simm.s32 $0x10  }
0x92: {  	[smem:s4], [sflag:s15] =	dma.local [hbm:s2], $0x1  }
0x93: {  	_ =	swait.eq [sflag:s15], $0x1  }
0x94: {  	[sflag:s15] =	ssyncset.done $0x0  }
0x95: {  	[sflag:s15] =	ssyncadd.s32 $0xFFFFFFFF  }
0x96: {  	s16 =	sld [smem:$0x10];
	(tm) =	ssettm $0x1  }
0x97: {  	s17 =	sld [smem:$0x3FFB];
	_ =	sdelay $0x3  }
0x98: {  	_ =	strace s17  }
0x99: {  	s3 =	sld [smem:$0x3FFC];
	_ =	sdelay $0x3  }
0x9a: {  	_ =	strace s3  }
0x9b: {  	s3 =	sld [smem:$0x3FFD];
	_ =	sdelay $0x3  }
0x9c: {  	_ =	strace s3  }
0x9d: {  	_ =	strace $0x8FFFFFFF  }
0x9e: {  	s18 =	sld [smem:$0x3FDB];
	_ =	sdelay $0x1  }
0x9f: {  	s19 =	simm.s32 $_scs_section_size  }
0xa0: {  	s5 =	simm.s32 $_size__tile_overlayer_lowered;
	s6 =	simm.s32 $_tile_overlayer_lowered  }
0xa1: {  	s22 =	simm.s32 $0x1BFF;
	s21 =	sshll.u32 s6, $0x1;
	s3 =	sadd.s32 s19, s18  }
0xa2: {  	s7 =	simm.s32 $0x0;
	s20 =	sshll.u32 s5, $0x1;
	s5 =	sadd.s32 s21, s3  }
0xa3: {  	[timem:s7], [sflag:s22] =	dma.local [hbm:s5], s20  }
0xa4: {  	_ =	swait.ge [sflag:s22], s20  }
0xa5: {  	s4 =	ssub.s32 $0x0, s20;
	[sflag:s22] =	ssyncset.done $0x0  }
0xa6: {  	[sflag:s22] =	ssyncadd.s32 s4;
	_ =	sdelay $0x1  }
0xa7: {  	s23 =	simm.s32 $0x1B8B  }
0xa8: {  	_ =	swait.ge [sflag:s23], $0x1  }
0xa9: {  	[sflag:s23] =	ssyncset.done $0x0  }
0xaa: {  	s25 =	simm.s32 $0x1B8E;
	s24 =	sld [smem:$0x3FFE];
	[sflag:s23] =	ssyncadd.s32 $0xFFFFFFFF  }
0xab: {  	s26 =	simm.s32 $execute0_lowered;
	[smem:$0x3FD2] =	sst s25  }
0xac: {  	s5 =	sshll.u32 s26, $0x1;
	_ =	strace $0x80000049;
	[dreg:$0x1] =	wrdreg $0xFFFFFFFF  }
0xad: {  	s28 =	simm.s32 $_size_execute0_lowered;
	s3 =	sadd.s32 s3, s5;
	[dreg:$0x0] =	wrdreg $0x0  }
0xae: {  	s5 =	sshll.u32 s28, $0x1;
	[dreg:$0x2] =	wrdreg s3  }
0xaf: {  	[dreg:$0x3] =	wrdreg s5  }
0xb0: {  	[dreg:$0x4] =	wrdreg $0xC0  }
0xb1: {  	_ =	task [dreg:s7], $0x5FFFF  }
0xb2: {  	[dreg:$0x1] =	wrdreg $0xFFFFFFFF  }
0xb3: {  	[dreg:$0x0] =	wrdreg $0x60  }
0xb4: {  	[dreg:$0x2] =	wrdreg s24  }
0xb5: {  	[dreg:$0x3] =	wrdreg s16  }
0xb6: {  	[dreg:$0x4] =	wrdreg $0xF0000  }
0xb7: {  	[dreg:$0x5] =	wrdreg $0x9  }
0xb8: {  	_ =	task.clear_ibuf [dreg:s7], $0x6FFFF;
	_ =	strace $0x90000049  }
0xb9: {  	s29 =	simm.s32 $0x9;
	_ =	strace $0x8000004B  }
0xba: {  	_ =	swait.ge [sflag:s29], $0x1  }
0xbb: {  	[sflag:s29] =	ssyncadd.s32 $0xFFFFFFFF  }
0xbc: {  	_ =	strace $0x9000004B  }
0xbd: {  	_ =	sfence  }
0xbe: {  	s30 =	sld [smem:$0x0];
	_ =	sdelay $0x2  }
0xbf: {  	s31 =	sshll.u32 s1, $0xD;
	s1 =	sshrl.u32 s1, $0x2  }
0xc0: {  	s3 =	sand.u32 $0x4000, s31;
	s1 =	sadd.s32 s1, s30  }
0xc1: {  	s0 =	sor.u32 s3, s0;
	s1 =	sshll.u32 s1, $0x11  }
0xc2: {  	s0 =	sor.u32 s1, s0  }
0xc3: {  	s0 =	sadd.s32 $0x8F2B, s0  }
0xc4: {  	[sflag:s0] =	ssyncadd.remote.s32 $0x1  }
0xc5: {  	_ =	sfence.sel $0xFFFF  }
0xc6: {  	[dreg:$0x0] =	wrdreg $0xFFFFFFFF;
	(pc) =	sbr.abs _section_cstart, $3  }
0xc7: {  	[dreg:$0x1] =	wrdreg $0xFFFFFFFF  }
0xc8: {  	_ =	task.clear_ibuf [dreg:s7], $0x2FFFF;
	_ =	strace $0x9FFFFFFF  }
0xc9: {  	(tm) =	ssettm $0x7FFFFFFF  }
tec
execute0_lowered:
.L_overlay_start_1:
0x0: {  	(tag) =	ssettag $0x1  }
0x1: {  	s5 =	rddreg [dreg:$0x0]  }
0x2: {  	s2 =	rddreg [dreg:$0x1];
	s0 =	srdreg.scid  }
0x3: {  	s3 =	rddreg [dreg:$0x2];
	s1 =	stileid.u32  }
0x4: {  	s4 =	simm.s32 $0x0;
	s14 =	simm.s32 $0x2;
	s15 =	simm.s32 $0x2800  }
0x5: {  	s16 =	simm.s32 $0xD000;
	s17 =	simm.s32 $0x200;
	s18 =	simm.s32 $0x5000  }
0x6: {  	s19 =	simm.s32 $0x1;
	s6 =	sand.u32 $0x1, s0;
	s0 =	rddreg [dreg:$0x3]  }
0x7: {  	s22 =	simm.s32 $0x0;
	s8 =	smul.u32 $0xA000, s1;
	[smem:$0x7FF] =	sst s4  }
0x8: {  	s10 =	smul.u32 $0x28000, s1;
	s20 =	sshll.u32 s1, $0x6;
	s7 =	sshll.u32 s6, $0x4  }
0x9: {  	s9 =	smul.u32 $0xA0000, s6;
	_ =	strace $0x8000004A;
	s6 =	ssub.s32 $0x2, s6  }
0xa: {  	s20 =	sor.u32 $0x1C02, s20;
	s7 =	sor.u32 s1, s7;
	s30 =	sshrl.u32 s6, $0x1  }
0xb: {  	s31 =	sshrl.u32 s10, $0x2;
	s7 =	smul.u32 $0x500, s7;
	s9 =	sadd.s32 s8, s9  }
0xc: {  	s13 =	ssub.s32 s6, s30;
	s11 =	sadd.s32 s31, s3;
	s9 =	sshrl.u32 s9, $0x3  }
0xd: {  	s10 =	sadd.s32 $0x6000, s11;
	s13 =	smax.u32 s13, $0x1;
	s7 =	sadd.s32 s7, s5  }
0xe: {  	s12 =	sadd.s32 s9, s5;
	s9 =	sadd.s32 $0x4000, s11;
	s5 =	sadd.s32 $0xCA00, s7  }
0xf: {  	s6 =	sadd.s32 $0x2A00, s7;
	s7 =	sadd.s32 s8, s3;
	s8 =	sadd.s32 $0x2000, s11  }
0x10: {  	v0 =	vimm.f32 $0.0e+00;
	s11 =	sadd.s32 $0x8000, s11;
	s12 =	sadd.s32 $0x3EA00, s12;
	s21 =	sshrl.u32 s7, $0x3  }
.LBB2_1:
0x11: {  	[tilespmem:s4], [sflag:$0x2] =	stream.linear.gather [hbm4b:s5+s4], $0x2800, $0x38;
	[tilespmem:$0x19000] =	vst v63  }
0x12: {  	_ =	swait.ge [sflag:s14], $0x2800  }
0x13: {  	[sflag:s14] =	ssyncset.done $0x0  }
0x14: {  	[sflag:s14] =	ssyncadd.s32 $0xFFFFD800  }
0x15: {  	[tilespmem:s15], [sflag:$0x2] =	stream.linear.gather [hbm4b:s6+s4], $0x2800, $0x38;
	[tilespmem:$0x19000] =	vst v63  }
0x16: {  	_ =	swait.ge [sflag:s14], $0x2800  }
0x17: {  	[sflag:s14] =	ssyncset.done $0x0  }
0x18: {  	s24 =	simm.s32 $0x100;
	s23 =	simm.s32 $0x0;
	[sflag:s14] =	ssyncadd.s32 $0xFFFFD800  }
.LBB2_2:
0x19: {  	p0 =	sne.s32 s24, $0x7F00;
	[tilespmem:s23+$0xD030] =	vst v0;
	s25 =	smov.u32 s24;
	s24 =	sadd.s32 $0x100, s24  }
.Ltmp0:
0x1a: {  	[tilespmem:s23+$0xD020] =	vst v0;
	(pc) =	sbr.rel @p0 .LBB2_2-.Ltmp0, $3  }
0x1b: {  	[tilespmem:s23+$0xD000] =	vst v0  }
0x1c: {  	[tilespmem:s23+$0xD010] =	vst v0;
	_ =	sdelay $0x1  }
0x1d: {  	s23 =	sshra.s32 s25, $0x2  }
0x1e: {  	[tilespmem:s23+$0xD030] =	vst v0  }
0x1f: {  	[tilespmem:s23+$0xD020] =	vst v0  }
0x20: {  	[tilespmem:s23+$0xD000] =	vst v0  }
0x21: {  	[tilespmem:s23+$0xD010] =	vst v0  }
0x22: {  	[spmem:s7] =	stream.linear.scatter [tilespmem:s16], [sflag:$0x2], $0x2000, $0x38;
	[tilespmem:$0x19000] =	vst v63  }
0x23: {  	_ =	swait.ge [sflag:s14], $0x2000  }
0x24: {  	[sflag:s14] =	ssyncset.done $0x0  }
0x25: {  	[sflag:s14] =	ssyncadd.s32 $0xFFFFE000  }
0x26: {  	[spmem:s8] =	stream.linear.scatter [tilespmem:s16], [sflag:$0x2], $0x2000, $0x38;
	[tilespmem:$0x19000] =	vst v63  }
0x27: {  	_ =	swait.ge [sflag:s14], $0x2000  }
0x28: {  	[sflag:s14] =	ssyncset.done $0x0  }
0x29: {  	[sflag:s14] =	ssyncadd.s32 $0xFFFFE000  }
0x2a: {  	[spmem:s9] =	stream.linear.scatter [tilespmem:s16], [sflag:$0x2], $0x2000, $0x38;
	[tilespmem:$0x19000] =	vst v63  }
0x2b: {  	_ =	swait.ge [sflag:s14], $0x2000  }
0x2c: {  	[sflag:s14] =	ssyncset.done $0x0  }
0x2d: {  	[sflag:s14] =	ssyncadd.s32 $0xFFFFE000  }
0x2e: {  	[spmem:s10] =	stream.linear.scatter [tilespmem:s16], [sflag:$0x2], $0x2000, $0x38;
	[tilespmem:$0x19000] =	vst v63  }
0x2f: {  	_ =	swait.ge [sflag:s14], $0x2000  }
0x30: {  	[sflag:s14] =	ssyncset.done $0x0  }
0x31: {  	[sflag:s14] =	ssyncadd.s32 $0xFFFFE000  }
0x32: {  	[spmem:s11] =	stream.linear.scatter [tilespmem:s16], [sflag:$0x2], $0x2000, $0x38;
	[tilespmem:$0x19000] =	vst v63  }
0x33: {  	_ =	swait.ge [sflag:s14], $0x2000  }
0x34: {  	[sflag:s14] =	ssyncset.done $0x0  }
0x35: {  	[sflag:s14] =	ssyncadd.s32 $0xFFFFE000  }
0x36: {  	s30 =	simm.s32 $0x0;
	[bflag:$0x0] =	sbarrier.arrive $0xFFFF  }
0x37: {  	[tilespmem:s18], [sflag:$0x1] =	stream.indirect.gather [hbm4b:s2+s17], $0x40, s30, s17, $0xb8;
	[tilespmem:$0x19000] =	vst v63  }
0x38: {  	_ =	swait.ge [sflag:s19], $0x8000  }
0x39: {  	[sflag:s19] =	ssyncset.done $0x0  }
0x3a: {  	s31 =	simm.s32 $0x2800;
	[sflag:s19] =	ssyncadd.s32 $0xFFFF8000  }
0x3b: {  	[spmem:s3] =	stream.indirect.scatter.add.f32 [tilespmem:s18], [sflag:$0x2], $0x40, s31, s17, $0xb8;
	[tilespmem:$0x19000] =	vst v63  }
0x3c: {  	_ =	swait.ge [sflag:s14], $0x8000  }
0x3d: {  	s23 =	simm.s32 $0x800;
	s24 =	simm.s32 $0x1000;
	[sflag:s14] =	ssyncset.done $0x0  }
.LBB2_4:
0x3e: {  	s25 =	sshra.s32 s23, $0x2  }
0x3f: {  	[sflag:s14] =	ssyncadd.s32 $0xFFFF8000;
	s23 =	smov.u32 s24;
	s26 =	sadd.s32 $0x800, s24  }
0x40: {  	[tilespmem:s18], [sflag:$0x1] =	stream.indirect.gather [hbm4b:s2+s17], $0x40, s25, s17, $0xb8;
	[tilespmem:$0x19000] =	vst v63  }
0x41: {  	p0 =	sne.s32 s24, $0x9800;
	_ =	swait.ge [sflag:s19], $0x8000  }
.Ltmp1:
0x42: {  	[sflag:s19] =	ssyncset.done $0x0;
	(pc) =	sbr.rel @p0 .LBB2_4-.Ltmp1, $4  }
0x43: {  	s24 =	sadd.s32 $0x2800, s25;
	[sflag:s19] =	ssyncadd.s32 $0xFFFF8000  }
0x44: {  	[spmem:s3] =	stream.indirect.scatter.add.f32 [tilespmem:s18], [sflag:$0x2], $0x40, s24, s17, $0xb8;
	[tilespmem:$0x19000] =	vst v63  }
0x45: {  	_ =	swait.ge [sflag:s14], $0x8000  }
0x46: {  	s24 =	smov.u32 s26;
	[sflag:s14] =	ssyncset.done $0x0  }
0x47: {  	s23 =	sshra.s32 s23, $0x2;
	[sflag:s14] =	ssyncadd.s32 $0xFFFF8000  }
0x48: {  	[tilespmem:s18], [sflag:$0x1] =	stream.indirect.gather [hbm4b:s2+s17], $0x40, s23, s17, $0xb8;
	[tilespmem:$0x19000] =	vst v63  }
0x49: {  	_ =	swait.ge [sflag:s19], $0x8000  }
0x4a: {  	[sflag:s19] =	ssyncset.done $0x0  }
0x4b: {  	s23 =	sadd.s32 $0x2800, s23;
	[sflag:s19] =	ssyncadd.s32 $0xFFFF8000  }
0x4c: {  	[spmem:s3] =	stream.indirect.scatter.add.f32 [tilespmem:s18], [sflag:$0x2], $0x40, s23, s17, $0xb8;
	[tilespmem:$0x19000] =	vst v63  }
0x4d: {  	_ =	swait.ge [sflag:s14], $0x8000  }
0x4e: {  	s22 =	sadd.s32 $0x1, s22;
	[sflag:s14] =	ssyncset.done $0x0  }
0x4f: {  	p0 =	sne.s32 s22, s13;
	[sflag:s14] =	ssyncadd.s32 $0xFFFF8000  }
.Ltmp2:
0x50: {  	[bflag:$0x0] =	sbarrier.arrive $0xFFFF;
	(pc) =	sbr.rel @p0 .LBB2_1-.Ltmp2, $4  }
0x51: {  	[hbm:s12], [sflag:s20] =	dma.local [spmem:s21], $0x1400  }
0x52: {  	_ =	swait.ge [sflag:s14], $0x1400  }
0x53: {  	[sflag:s14] =	ssyncset.done $0x0  }
0x54: {  	[sflag:s14] =	ssyncadd.s32 $0xFFFFEC00  }
0x55: {  	_ =	sfence.sel $0x180000  }
0x56: {  	[bflag:$0x0] =	sbarrier.arrive $0xFFFF  }
0x57: {  	p0 =	sne.s32 s1, $0x0;
	_ =	strace $0x9000004A  }
0x58: {  	s0 =	sadd.s32 @!p0 $0x100000, s0;
	[bflag:$0x2] =	sbarrier.arrive $0xFFFF  }
0x59: {  	[sflag:s0] =	ssyncadd.tile.s32 @!p0 $0x1;
	_ =	shalt  }
.Lfunc_end2:
_tile_overlayer_lowered:
.L_overlay_start_2:
0x5a: {  	(tag) =	ssettag $0x2  }
0x5b: {  	s0 =	rddreg [dreg:$0x0];
	s2 =	stileid.u32  }
0x5c: {  	s1 =	rddreg [dreg:$0x1];
	p0 =	sne.s32 s2, $0x0  }
0x5d: {  	s3 =	rddreg [dreg:$0x2];
	[bflag:$0x3] =	sbarrier.arrive $0xFFFF;
	s2 =	simm.s32 @!p0 $0x1C02  }
0x5e: {  	[timem:s3], [sflag:s2] =	dma.local @!p0 [hbm:s0], s1  }
0x5f: {  	s0 =	simm.s32 @!p0 $0x2  }
0x60: {  	_ =	swait.ge @!p0 [sflag:s0], s1  }
0x61: {  	s1 =	ssub.s32 @!p0 $0x0, s1;
	[sflag:s0] =	ssyncset.done @!p0 $0x0  }
0x62: {  	[sflag:s0] =	ssyncadd.s32 @!p0 s1  }
0x63: {  	[bflag:$0x3] =	sbarrier.arrive $0xFFFF  }
0x64: {  	_ =	shalt  }

// kernel: kernel.17.cloned.1.call-start
scs
__scs_entry_jumppad:
0x0: {  	(pc) =	sbr.rel $0x88, $3  }
0x1: {  	(tag) =	ssettag $0x0;
	lr =	simm.s32 $0x1  }
0x2: {  	[smem:$0x3F96] =	sst lr;
	_ =	strace $0xD0000000  }
0x3: {  	_ = 	snop  }
0x4: {  	_ = 	snop  }
0x5: {  	_ = 	snop  }
0x6: {  	_ = 	snop  }
0x7: {  	_ = 	snop  }
__scs_overlays_trampoline_lowered:
0x8: {  	[smem:$0x3FA5] =	sst s0  }
0x9: {  	[smem:$0x3FA6] =	sst s1  }
0xa: {  	[smem:$0x3FA7] =	sst s2  }
0xb: {  	[smem:$0x3FA8] =	sst s3  }
0xc: {  	[smem:$0x3FA9] =	sst s4  }
0xd: {  	[smem:$0x3FAA] =	sst s5  }
0xe: {  	[smem:$0x3FAB] =	sst s6  }
0xf: {  	[smem:$0x3FAC] =	sst s7  }
0x10: {  	[smem:$0x3FAD] =	sst s8  }
0x11: {  	[smem:$0x3FAE] =	sst s9;
	s0 =	simm.s32 @!p0 $0x0  }
0x12: {  	s1 =	sld [smem:$0x3F94];
	s0 =	simm.s32 @p0 $0x1  }
0x13: {  	[smem:$0x3FAF] =	sst s0;
	s0 =	simm.s32 @!p1 $0x0  }
0x14: {  	s2 =	sld [smem:$0x3F93];
	s0 =	simm.s32 @p1 $0x1  }
0x15: {  	[smem:$0x3FB0] =	sst s0;
	s0 =	simm.s32 @!p2 $0x0  }
0x16: {  	s3 =	sld [smem:$0x3FDB];
	s0 =	simm.s32 @p2 $0x1  }
0x17: {  	s4 =	simm.s32 $0x1BF5;
	[smem:$0x3FB2] =	sst s0  }
0x18: {  	s0 =	sld [smem:$0x3F95];
	_ =	swait.ge [sflag:s4], $0x0  }
0x19: {  	s7 =	sld [smem:$0x3F96]  }
0x1a: {  	s8 =	sadd.s32 $0xFFFFE003, lr  }
0x1b: {  	s9 =	sadd.s32 $0xFFFFFEF7, lr;
	s5 =	simm.s32 $0xFFFFFFFF;
	p2 =	slt.u32 s8, $0xFFFFF086  }
0x1c: {  	p1 =	slt.u32 s9, $0xF7A;
	s5 =	simm.s32 @!p2 $0x0  }
0x1d: {  	s5 =	simm.s32 @p1 $0x1;
	p0 =	seq.s32 s7, s2  }
0x1e: {  	s7 =	smul.u32 @!p0 $0xF7A, s2;
	p2 =	seq.s32 @!p0 s5, $0x0  }
0x1f: {  	s9 =	smul.u32 $0xF7A, s1;
	s8 =	simm.s32 @!p0 $0x1BF5;
	p2 =	por !p2, p0  }
0x20: {  	[sflag:s8] =	ssyncset.s32 @!p0 $0xFFFFF086;
	s6 =	sadd.s32 @!p0 s3, s7;
	s7 =	simm.s32 @!p0 $0x108  }
0x21: {  	s3 =	sadd.s32 s3, s9;
	s6 =	sadd.s32 @!p0 $0x88, s6;
	s7 =	simm.s32 @p2 $0x1082  }
0x22: {  	[simem:s7], [sflag:s8] =	dma.local @!p0 [hbm:s6], $0xF7A  }
0x23: {  	s9 =	sor.u32 $0xD0000000, s2;
	s6 =	simm.s32 $0x108;
	_ =	swait.ge @!p0 [sflag:s8], $0x0  }
0x24: {  	s3 =	sadd.s32 $0x88, s3;
	s6 =	simm.s32 @!p1 $0x1082;
	[sflag:s4] =	ssyncset.s32 $0xFFFFF086  }
0x25: {  	[simem:s6], [sflag:s4] =	dma.local [hbm:s3], $0xF7A  }
0x26: {  	[smem:$0x3F96] =	sst s1;
	(tag) =	ssettag s2;
	_ =	strace s9  }
0x27: {  	s1 =	sld [smem:$0x3FA6]  }
0x28: {  	s2 =	sld [smem:$0x3FA7]  }
0x29: {  	s4 =	sld [smem:$0x3FA9]  }
0x2a: {  	p0 =	seq.s32 s5, $0x0;
	s5 =	sld [smem:$0x3FAA]  }
0x2b: {  	s6 =	sld [smem:$0x3FAB]  }
0x2c: {  	s7 =	sld [smem:$0x3FAC]  }
0x2d: {  	s3 =	simm.s32 $0x108;
	s8 =	sld [smem:$0x3FAD]  }
0x2e: {  	s3 =	simm.s32 @!p0 $0x1082;
	s9 =	sld [smem:$0x3FAE]  }
0x2f: {  	lr =	sadd.s32 s0, s3;
	s0 =	sld [smem:$0x3FA5]  }
0x30: {  	s3 =	sld [smem:$0x3FA8]  }
0x31: {  	[smem:$0x3FB1] =	sst s10  }
0x32: {  	s10 =	sld [smem:$0x3FAF];
	_ =	sdelay $0x3  }
0x33: {  	p0 =	seq.s32 s10, $0x1;
	s10 =	sld [smem:$0x3FB1];
	_ =	sdelay $0x3  }
0x34: {  	[smem:$0x3FB1] =	sst s10  }
0x35: {  	s10 =	sld [smem:$0x3FB0];
	_ =	sdelay $0x3  }
0x36: {  	p1 =	seq.s32 s10, $0x1;
	s10 =	sld [smem:$0x3FB1];
	_ =	sdelay $0x3  }
0x37: {  	[smem:$0x3FB1] =	sst s10  }
0x38: {  	s10 =	sld [smem:$0x3FB2]  }
0x39: {  	_ = 	snop;
	(pc) =	sbr.ind lr, $3  }
0x3a: {  	_ = 	snop  }
0x3b: {  	_ = 	snop  }
0x3c: {  	p2 =	seq.s32 s10, $0x1;
	s10 =	sld [smem:$0x3FB1]  }
0x3d: {  	_ =	shalt  }
0x3e: {  	_ =	shalt  }
0x3f: {  	_ =	shalt  }
0x40: {  	_ =	shalt  }
0x41: {  	_ =	shalt  }
0x42: {  	_ =	shalt  }
0x43: {  	_ =	shalt  }
0x44: {  	_ =	shalt  }
0x45: {  	_ =	shalt  }
0x46: {  	_ =	shalt  }
0x47: {  	_ =	shalt  }
0x48: {  	_ =	shalt  }
0x49: {  	_ =	shalt  }
0x4a: {  	_ =	shalt  }
0x4b: {  	_ =	shalt  }
0x4c: {  	_ =	shalt  }
0x4d: {  	_ =	shalt  }
0x4e: {  	_ =	shalt  }
0x4f: {  	_ =	shalt  }
0x50: {  	_ =	shalt  }
0x51: {  	_ =	shalt  }
0x52: {  	_ =	shalt  }
0x53: {  	_ =	shalt  }
0x54: {  	_ =	shalt  }
0x55: {  	_ =	shalt  }
0x56: {  	_ =	shalt  }
0x57: {  	_ =	shalt  }
0x58: {  	_ =	shalt  }
0x59: {  	_ =	shalt  }
0x5a: {  	_ =	shalt  }
0x5b: {  	_ =	shalt  }
0x5c: {  	_ =	shalt  }
0x5d: {  	_ =	shalt  }
0x5e: {  	_ =	shalt  }
0x5f: {  	_ =	shalt  }
0x60: {  	_ =	shalt  }
0x61: {  	_ =	shalt  }
0x62: {  	_ =	shalt  }
0x63: {  	_ =	shalt  }
0x64: {  	_ =	shalt  }
0x65: {  	_ =	shalt  }
0x66: {  	_ =	shalt  }
0x67: {  	_ =	shalt  }
0x68: {  	_ =	shalt  }
0x69: {  	_ =	shalt  }
0x6a: {  	_ =	shalt  }
0x6b: {  	_ =	shalt  }
0x6c: {  	_ =	shalt  }
0x6d: {  	_ =	shalt  }
0x6e: {  	_ =	shalt  }
0x6f: {  	_ =	shalt  }
0x70: {  	_ =	shalt  }
0x71: {  	_ =	shalt  }
0x72: {  	_ =	shalt  }
0x73: {  	_ =	shalt  }
0x74: {  	_ =	shalt  }
0x75: {  	_ =	shalt  }
0x76: {  	_ =	shalt  }
0x77: {  	_ =	shalt  }
0x78: {  	_ =	shalt  }
0x79: {  	_ =	shalt  }
0x7a: {  	_ =	shalt  }
0x7b: {  	_ =	shalt  }
0x7c: {  	_ =	shalt  }
0x7d: {  	_ =	shalt  }
0x7e: {  	_ =	shalt  }
0x7f: {  	_ =	shalt  }
0x80: {  	_ =	shalt  }
0x81: {  	_ =	shalt  }
0x82: {  	_ =	shalt  }
0x83: {  	_ =	shalt  }
0x84: {  	_ =	shalt  }
0x85: {  	_ =	shalt  }
0x86: {  	_ =	shalt  }
0x87: {  	_ =	shalt  }
.Lfunc_end0:
.L_simem_size_0:
called_computation.2_lowered:
.L_overlay_start_0:
0x88: {  	s2 =	sld [smem:$0x3FD9]  }
0x89: {  	s3 =	sld [smem:$0x3FFE];
	_ =	sdelay $0x1  }
0x8a: {  	s1 =	srdreg.scid  }
0x8b: {  	s0 =	sand.u32 $0x1, s1  }
0x8c: {  	s14 =	sshll.u32 s0, $0xA;
	s2 =	sadd.s32 s3, s2  }
0x8d: {  	s2 =	sadd.s32 s2, s14  }
0x8e: {  	[smem:$0x3FBD] =	sst s2  }
0x8f: {  	_ = 	snop  }
0x90: {  	s2 =	sld [smem:$0x3FD0];
	_ =	sdelay $0x2  }
0x91: {  	s15 =	simm.s32 $0xA;
	s4 =	simm.s32 $0x10  }
0x92: {  	[smem:s4], [sflag:s15] =	dma.local [hbm:s2], $0x1  }
0x93: {  	_ =	swait.eq [sflag:s15], $0x1  }
0x94: {  	[sflag:s15] =	ssyncset.done $0x0  }
0x95: {  	[sflag:s15] =	ssyncadd.s32 $0xFFFFFFFF  }
0x96: {  	s16 =	sld [smem:$0x10];
	(tm) =	ssettm $0x1  }
0x97: {  	s17 =	sld [smem:$0x3FFB];
	_ =	sdelay $0x3  }
0x98: {  	_ =	strace s17  }
0x99: {  	s3 =	sld [smem:$0x3FFC];
	_ =	sdelay $0x3  }
0x9a: {  	_ =	strace s3  }
0x9b: {  	s3 =	sld [smem:$0x3FFD];
	_ =	sdelay $0x3  }
0x9c: {  	_ =	strace s3  }
0x9d: {  	_ =	strace $0x8FFFFFFF  }
0x9e: {  	s18 =	sld [smem:$0x3FDB];
	_ =	sdelay $0x1  }
0x9f: {  	s19 =	simm.s32 $_scs_section_size  }
0xa0: {  	s5 =	simm.s32 $_size__tile_overlayer_lowered;
	s6 =	simm.s32 $_tile_overlayer_lowered  }
0xa1: {  	s22 =	simm.s32 $0x1BFF;
	s21 =	sshll.u32 s6, $0x1;
	s3 =	sadd.s32 s19, s18  }
0xa2: {  	s7 =	simm.s32 $0x0;
	s20 =	sshll.u32 s5, $0x1;
	s5 =	sadd.s32 s21, s3  }
0xa3: {  	[timem:s7], [sflag:s22] =	dma.local [hbm:s5], s20  }
0xa4: {  	_ =	swait.ge [sflag:s22], s20  }
0xa5: {  	s4 =	ssub.s32 $0x0, s20;
	[sflag:s22] =	ssyncset.done $0x0  }
0xa6: {  	[sflag:s22] =	ssyncadd.s32 s4;
	_ =	sdelay $0x1  }
0xa7: {  	s23 =	simm.s32 $0x1B8B  }
0xa8: {  	_ =	swait.ge [sflag:s23], $0x1  }
0xa9: {  	[sflag:s23] =	ssyncset.done $0x0  }
0xaa: {  	s25 =	simm.s32 $0x1B8E;
	s24 =	sld [smem:$0x3FFE];
	[sflag:s23] =	ssyncadd.s32 $0xFFFFFFFF  }
0xab: {  	s26 =	simm.s32 $execute0_lowered;
	[smem:$0x3FD2] =	sst s25  }
0xac: {  	s5 =	sshll.u32 s26, $0x1;
	_ =	strace $0x8000004C;
	[dreg:$0x1] =	wrdreg $0xFFFFFFFF  }
0xad: {  	s28 =	simm.s32 $_size_execute0_lowered;
	s3 =	sadd.s32 s3, s5;
	[dreg:$0x0] =	wrdreg $0x0  }
0xae: {  	s5 =	sshll.u32 s28, $0x1;
	[dreg:$0x2] =	wrdreg s3  }
0xaf: {  	[dreg:$0x3] =	wrdreg s5  }
0xb0: {  	[dreg:$0x4] =	wrdreg $0xC0  }
0xb1: {  	_ =	task [dreg:s7], $0x5FFFF  }
0xb2: {  	[dreg:$0x1] =	wrdreg $0xFFFFFFFF  }
0xb3: {  	[dreg:$0x0] =	wrdreg $0x60  }
0xb4: {  	[dreg:$0x2] =	wrdreg s24  }
0xb5: {  	[dreg:$0x3] =	wrdreg s16  }
0xb6: {  	[dreg:$0x4] =	wrdreg $0x1A0000  }
0xb7: {  	[dreg:$0x5] =	wrdreg $0x9  }
0xb8: {  	_ =	task.clear_ibuf [dreg:s7], $0x6FFFF;
	_ =	strace $0x9000004C  }
0xb9: {  	s29 =	simm.s32 $0x9;
	_ =	strace $0x8000004E  }
0xba: {  	_ =	swait.ge [sflag:s29], $0x1  }
0xbb: {  	[sflag:s29] =	ssyncadd.s32 $0xFFFFFFFF  }
0xbc: {  	_ =	strace $0x9000004E  }
0xbd: {  	_ =	sfence  }
0xbe: {  	s30 =	sld [smem:$0x0];
	_ =	sdelay $0x2  }
0xbf: {  	s31 =	sshll.u32 s1, $0xD;
	s1 =	sshrl.u32 s1, $0x2  }
0xc0: {  	s3 =	sand.u32 $0x4000, s31;
	s1 =	sadd.s32 s1, s30  }
0xc1: {  	s0 =	sor.u32 s3, s0;
	s1 =	sshll.u32 s1, $0x11  }
0xc2: {  	s0 =	sor.u32 s1, s0  }
0xc3: {  	s0 =	sadd.s32 $0x8F2B, s0  }
0xc4: {  	[sflag:s0] =	ssyncadd.remote.s32 $0x1  }
0xc5: {  	_ =	sfence.sel $0xFFFF  }
0xc6: {  	[dreg:$0x0] =	wrdreg $0xFFFFFFFF;
	(pc) =	sbr.abs _section_cstart, $3  }
0xc7: {  	[dreg:$0x1] =	wrdreg $0xFFFFFFFF  }
0xc8: {  	_ =	task.clear_ibuf [dreg:s7], $0x2FFFF;
	_ =	strace $0x9FFFFFFF  }
0xc9: {  	(tm) =	ssettm $0x7FFFFFFF  }
tec
execute0_lowered:
.L_overlay_start_1:
0x0: {  	(tag) =	ssettag $0x1  }
0x1: {  	s5 =	rddreg [dreg:$0x0]  }
0x2: {  	s2 =	rddreg [dreg:$0x1]  }
0x3: {  	s3 =	rddreg [dreg:$0x2];
	s4 =	srdreg.scid  }
0x4: {  	s1 =	stileid.u32;
	s0 =	rddreg [dreg:$0x3];
	s14 =	simm.s32 $0x2  }
0x5: {  	s15 =	simm.s32 $0x2800;
	s16 =	simm.s32 $0x19000;
	s17 =	simm.s32 $0xA00  }
0x6: {  	s18 =	simm.s32 $0x5000;
	s19 =	simm.s32 $0x1;
	s20 =	simm.s32 $0x3200  }
0x7: {  	s21 =	simm.s32 $0x1400;
	s22 =	simm.s32 $0x3C00;
	s23 =	simm.s32 $0x1E00  }
0x8: {  	s24 =	simm.s32 $0x4600;
	s25 =	simm.s32 $0x0;
	s7 =	smul.u32 $0x5000, s1  }
0x9: {  	s6 =	sand.u32 $0x1, s4;
	s4 =	simm.s32 $0x0;
	s10 =	smul.u32 $0x14000, s1  }
0xa: {  	s8 =	sshll.u32 s6, $0x4;
	s9 =	smul.u32 $0x50000, s6;
	[smem:$0x7FF] =	sst s4  }
0xb: {  	s6 =	ssub.s32 $0x2, s6;
	s8 =	sor.u32 s1, s8;
	_ =	strace $0x8000004D  }
0xc: {  	s30 =	sshrl.u32 s6, $0x1;
	s31 =	sshrl.u32 s10, $0x2;
	s8 =	smul.u32 $0x500, s8  }
0xd: {  	s9 =	sadd.s32 s7, s9;
	s13 =	ssub.s32 s6, s30;
	s11 =	sadd.s32 s31, s3  }
0xe: {  	s7 =	sadd.s32 s7, s3;
	s9 =	sshrl.u32 s9, $0x3;
	s10 =	sadd.s32 $0x3000, s11  }
0xf: {  	s13 =	smax.u32 s13, $0x1;
	s8 =	sadd.s32 s8, s5;
	s12 =	sadd.s32 s9, s5  }
0x10: {  	s9 =	sadd.s32 $0x2000, s11;
	s5 =	sadd.s32 $0xCA00, s8;
	s6 =	sadd.s32 $0x2A00, s8  }
0x11: {  	v0 =	vimm.f32 $0.0e+00;
	s8 =	sadd.s32 $0x1000, s11;
	s11 =	sadd.s32 $0x4000, s11;
	s12 =	sadd.s32 $0x3EA00, s12  }
.LBB2_1:
0x12: {  	[tilespmem:s4], [sflag:$0x2] =	stream.linear.gather [hbm4b:s5+s4], $0x2800, $0x38;
	[tilespmem:$0x1F000] =	vst v63  }
0x13: {  	_ =	swait.ge [sflag:s14], $0x2800  }
0x14: {  	[sflag:s14] =	ssyncset.done $0x0  }
0x15: {  	[sflag:s14] =	ssyncadd.s32 $0xFFFFD800  }
0x16: {  	[tilespmem:s15], [sflag:$0x2] =	stream.linear.gather [hbm4b:s6+s4], $0x2800, $0x38;
	[tilespmem:$0x1F000] =	vst v63  }
0x17: {  	_ =	swait.ge [sflag:s14], $0x2800  }
0x18: {  	[sflag:s14] =	ssyncset.done $0x0  }
0x19: {  	s26 =	simm.s32 $0x80;
	s28 =	simm.s32 $0x0;
	[sflag:s14] =	ssyncadd.s32 $0xFFFFD800  }
.LBB2_2:
0x1a: {  	p0 =	sne.s32 s26, $0x3F80;
	[tilespmem:s28+$0x19000] =	vst v0;
	s29 =	smov.u32 s26;
	s26 =	sadd.s32 $0x80, s26  }
.Ltmp0:
0x1b: {  	[tilespmem:s28+$0x19010] =	vst v0;
	(pc) =	sbr.rel @p0 .LBB2_2-.Ltmp0, $2  }
0x1c: {  	_ =	sdelay $0x2  }
0x1d: {  	s28 =	sshra.s32 s29, $0x2  }
0x1e: {  	[tilespmem:s28+$0x19000] =	vst v0  }
0x1f: {  	[tilespmem:s28+$0x19010] =	vst v0  }
0x20: {  	[spmem:s7] =	stream.linear.scatter [tilespmem:s16], [sflag:$0x2], $0x1000, $0x38;
	[tilespmem:$0x1F000] =	vst v63  }
0x21: {  	_ =	swait.ge [sflag:s14], $0x1000  }
0x22: {  	[sflag:s14] =	ssyncset.done $0x0  }
0x23: {  	[sflag:s14] =	ssyncadd.s32 $0xFFFFF000  }
0x24: {  	[spmem:s8] =	stream.linear.scatter [tilespmem:s16], [sflag:$0x2], $0x1000, $0x38;
	[tilespmem:$0x1F000] =	vst v63  }
0x25: {  	_ =	swait.ge [sflag:s14], $0x1000  }
0x26: {  	[sflag:s14] =	ssyncset.done $0x0  }
0x27: {  	[sflag:s14] =	ssyncadd.s32 $0xFFFFF000  }
0x28: {  	[spmem:s9] =	stream.linear.scatter [tilespmem:s16], [sflag:$0x2], $0x1000, $0x38;
	[tilespmem:$0x1F000] =	vst v63  }
0x29: {  	_ =	swait.ge [sflag:s14], $0x1000  }
0x2a: {  	[sflag:s14] =	ssyncset.done $0x0  }
0x2b: {  	[sflag:s14] =	ssyncadd.s32 $0xFFFFF000  }
0x2c: {  	[spmem:s10] =	stream.linear.scatter [tilespmem:s16], [sflag:$0x2], $0x1000, $0x38;
	[tilespmem:$0x1F000] =	vst v63  }
0x2d: {  	_ =	swait.ge [sflag:s14], $0x1000  }
0x2e: {  	[sflag:s14] =	ssyncset.done $0x0  }
0x2f: {  	[sflag:s14] =	ssyncadd.s32 $0xFFFFF000  }
0x30: {  	[spmem:s11] =	stream.linear.scatter [tilespmem:s16], [sflag:$0x2], $0x1000, $0x38;
	[tilespmem:$0x1F000] =	vst v63  }
0x31: {  	_ =	swait.ge [sflag:s14], $0x1000  }
0x32: {  	[sflag:s14] =	ssyncset.done $0x0  }
0x33: {  	[sflag:s14] =	ssyncadd.s32 $0xFFFFF000  }
0x34: {  	[bflag:$0x0] =	sbarrier.arrive $0xFFFF  }
0x35: {  	[tilespmem:s18], [sflag:$0x1] =	stream.indirect.gather [hbm4b:s2+s17], $0x20, s4, s17, $0xb8;
	[tilespmem:$0x1F000] =	vst v63  }
0x36: {  	_ =	swait.ge [sflag:s19], $0x14000  }
0x37: {  	[sflag:s19] =	ssyncset.done $0x0  }
0x38: {  	[sflag:s19] =	ssyncadd.s32 $0xFFFEC000  }
0x39: {  	[spmem:s3] =	stream.indirect.scatter.add.f32 [tilespmem:s18], [sflag:$0x2], $0x20, s15, s17, $0xb8;
	[tilespmem:$0x1F000] =	vst v63  }
0x3a: {  	_ =	swait.ge [sflag:s14], $0x14000  }
0x3b: {  	[sflag:s14] =	ssyncset.done $0x0  }
0x3c: {  	[sflag:s14] =	ssyncadd.s32 $0xFFFEC000  }
0x3d: {  	[tilespmem:s18], [sflag:$0x1] =	stream.indirect.gather [hbm4b:s2+s17], $0x20, s17, s17, $0xb8;
	[tilespmem:$0x1F000] =	vst v63  }
0x3e: {  	_ =	swait.ge [sflag:s19], $0x14000  }
0x3f: {  	[sflag:s19] =	ssyncset.done $0x0  }
0x40: {  	[sflag:s19] =	ssyncadd.s32 $0xFFFEC000  }
0x41: {  	[spmem:s3] =	stream.indirect.scatter.add.f32 [tilespmem:s18], [sflag:$0x2], $0x20, s20, s17, $0xb8;
	[tilespmem:$0x1F000] =	vst v63  }
0x42: {  	_ =	swait.ge [sflag:s14], $0x14000  }
0x43: {  	[sflag:s14] =	ssyncset.done $0x0  }
0x44: {  	[sflag:s14] =	ssyncadd.s32 $0xFFFEC000  }
0x45: {  	[tilespmem:s18], [sflag:$0x1] =	stream.indirect.gather [hbm4b:s2+s17], $0x20, s21, s17, $0xb8;
	[tilespmem:$0x1F000] =	vst v63  }
0x46: {  	_ =	swait.ge [sflag:s19], $0x14000  }
0x47: {  	[sflag:s19] =	ssyncset.done $0x0  }
0x48: {  	[sflag:s19] =	ssyncadd.s32 $0xFFFEC000  }
0x49: {  	[spmem:s3] =	stream.indirect.scatter.add.f32 [tilespmem:s18], [sflag:$0x2], $0x20, s22, s17, $0xb8;
	[tilespmem:$0x1F000] =	vst v63  }
0x4a: {  	_ =	swait.ge [sflag:s14], $0x14000  }
0x4b: {  	[sflag:s14] =	ssyncset.done $0x0  }
0x4c: {  	[sflag:s14] =	ssyncadd.s32 $0xFFFEC000  }
0x4d: {  	[tilespmem:s18], [sflag:$0x1] =	stream.indirect.gather [hbm4b:s2+s17], $0x20, s23, s17, $0xb8;
	[tilespmem:$0x1F000] =	vst v63  }
0x4e: {  	_ =	swait.ge [sflag:s19], $0x14000  }
0x4f: {  	[sflag:s19] =	ssyncset.done $0x0  }
0x50: {  	[sflag:s19] =	ssyncadd.s32 $0xFFFEC000  }
0x51: {  	[spmem:s3] =	stream.indirect.scatter.add.f32 [tilespmem:s18], [sflag:$0x2], $0x20, s24, s17, $0xb8;
	[tilespmem:$0x1F000] =	vst v63  }
0x52: {  	_ =	swait.ge [sflag:s14], $0x14000  }
0x53: {  	s26 =	sshll.u32 s1, $0x6;
	s25 =	sadd.s32 $0x1, s25;
	[sflag:s14] =	ssyncset.done $0x0  }
0x54: {  	s31 =	sshrl.u32 s7, $0x3;
	p0 =	sne.s32 s25, s13;
	[sflag:s14] =	ssyncadd.s32 $0xFFFEC000  }
.Ltmp1:
0x55: {  	s26 =	sor.u32 $0x1C02, s26;
	[bflag:$0x0] =	sbarrier.arrive $0xFFFF;
	(pc) =	sbr.rel @p0 .LBB2_1-.Ltmp1, $4  }
0x56: {  	[hbm:s12], [sflag:s26] =	dma.local [spmem:s31], $0xA00  }
0x57: {  	_ =	swait.ge [sflag:s14], $0xA00  }
0x58: {  	[sflag:s14] =	ssyncset.done $0x0  }
0x59: {  	[sflag:s14] =	ssyncadd.s32 $0xFFFFF600  }
0x5a: {  	_ =	sfence.sel $0x180000  }
0x5b: {  	[bflag:$0x0] =	sbarrier.arrive $0xFFFF  }
0x5c: {  	p0 =	sne.s32 s1, $0x0;
	_ =	strace $0x9000004D  }
0x5d: {  	s0 =	sadd.s32 @!p0 $0x100000, s0;
	[bflag:$0x2] =	sbarrier.arrive $0xFFFF  }
0x5e: {  	[sflag:s0] =	ssyncadd.tile.s32 @!p0 $0x1;
	_ =	shalt  }
.Lfunc_end2:
_tile_overlayer_lowered:
.L_overlay_start_2:
0x5f: {  	(tag) =	ssettag $0x2  }
0x60: {  	s0 =	rddreg [dreg:$0x0];
	s2 =	stileid.u32  }
0x61: {  	s1 =	rddreg [dreg:$0x1];
	p0 =	sne.s32 s2, $0x0  }
0x62: {  	s3 =	rddreg [dreg:$0x2];
	[bflag:$0x3] =	sbarrier.arrive $0xFFFF;
	s2 =	simm.s32 @!p0 $0x1C02  }
0x63: {  	[timem:s3], [sflag:s2] =	dma.local @!p0 [hbm:s0], s1  }
0x64: {  	s0 =	simm.s32 @!p0 $0x2  }
0x65: {  	_ =	swait.ge @!p0 [sflag:s0], s1  }
0x66: {  	s1 =	ssub.s32 @!p0 $0x0, s1;
	[sflag:s0] =	ssyncset.done @!p0 $0x0  }
0x67: {  	[sflag:s0] =	ssyncadd.s32 @!p0 s1  }
0x68: {  	[bflag:$0x3] =	sbarrier.arrive $0xFFFF  }
0x69: {  	_ =	shalt  }

// kernel: kernel.20.cloned.1.call-start
scs
__scs_entry_jumppad:
0x0: {  	(pc) =	sbr.rel $0x88, $3  }
0x1: {  	(tag) =	ssettag $0x0;
	lr =	simm.s32 $0x1  }
0x2: {  	[smem:$0x3F96] =	sst lr;
	_ =	strace $0xD0000000  }
0x3: {  	_ = 	snop  }
0x4: {  	_ = 	snop  }
0x5: {  	_ = 	snop  }
0x6: {  	_ = 	snop  }
0x7: {  	_ = 	snop  }
__scs_overlays_trampoline_lowered:
0x8: {  	[smem:$0x3FA5] =	sst s0  }
0x9: {  	[smem:$0x3FA6] =	sst s1  }
0xa: {  	[smem:$0x3FA7] =	sst s2  }
0xb: {  	[smem:$0x3FA8] =	sst s3  }
0xc: {  	[smem:$0x3FA9] =	sst s4  }
0xd: {  	[smem:$0x3FAA] =	sst s5  }
0xe: {  	[smem:$0x3FAB] =	sst s6  }
0xf: {  	[smem:$0x3FAC] =	sst s7  }
0x10: {  	[smem:$0x3FAD] =	sst s8  }
0x11: {  	[smem:$0x3FAE] =	sst s9;
	s0 =	simm.s32 @!p0 $0x0  }
0x12: {  	s1 =	sld [smem:$0x3F94];
	s0 =	simm.s32 @p0 $0x1  }
0x13: {  	[smem:$0x3FAF] =	sst s0;
	s0 =	simm.s32 @!p1 $0x0  }
0x14: {  	s2 =	sld [smem:$0x3F93];
	s0 =	simm.s32 @p1 $0x1  }
0x15: {  	[smem:$0x3FB0] =	sst s0;
	s0 =	simm.s32 @!p2 $0x0  }
0x16: {  	s3 =	sld [smem:$0x3FDB];
	s0 =	simm.s32 @p2 $0x1  }
0x17: {  	s4 =	simm.s32 $0x1BF5;
	[smem:$0x3FB2] =	sst s0  }
0x18: {  	s0 =	sld [smem:$0x3F95];
	_ =	swait.ge [sflag:s4], $0x0  }
0x19: {  	s7 =	sld [smem:$0x3F96]  }
0x1a: {  	s8 =	sadd.s32 $0xFFFFE003, lr  }
0x1b: {  	s9 =	sadd.s32 $0xFFFFFEF7, lr;
	s5 =	simm.s32 $0xFFFFFFFF;
	p2 =	slt.u32 s8, $0xFFFFF086  }
0x1c: {  	p1 =	slt.u32 s9, $0xF7A;
	s5 =	simm.s32 @!p2 $0x0  }
0x1d: {  	s5 =	simm.s32 @p1 $0x1;
	p0 =	seq.s32 s7, s2  }
0x1e: {  	s7 =	smul.u32 @!p0 $0xF7A, s2;
	p2 =	seq.s32 @!p0 s5, $0x0  }
0x1f: {  	s9 =	smul.u32 $0xF7A, s1;
	s8 =	simm.s32 @!p0 $0x1BF5;
	p2 =	por !p2, p0  }
0x20: {  	[sflag:s8] =	ssyncset.s32 @!p0 $0xFFFFF086;
	s6 =	sadd.s32 @!p0 s3, s7;
	s7 =	simm.s32 @!p0 $0x108  }
0x21: {  	s3 =	sadd.s32 s3, s9;
	s6 =	sadd.s32 @!p0 $0x88, s6;
	s7 =	simm.s32 @p2 $0x1082  }
0x22: {  	[simem:s7], [sflag:s8] =	dma.local @!p0 [hbm:s6], $0xF7A  }
0x23: {  	s9 =	sor.u32 $0xD0000000, s2;
	s6 =	simm.s32 $0x108;
	_ =	swait.ge @!p0 [sflag:s8], $0x0  }
0x24: {  	s3 =	sadd.s32 $0x88, s3;
	s6 =	simm.s32 @!p1 $0x1082;
	[sflag:s4] =	ssyncset.s32 $0xFFFFF086  }
0x25: {  	[simem:s6], [sflag:s4] =	dma.local [hbm:s3], $0xF7A  }
0x26: {  	[smem:$0x3F96] =	sst s1;
	(tag) =	ssettag s2;
	_ =	strace s9  }
0x27: {  	s1 =	sld [smem:$0x3FA6]  }
0x28: {  	s2 =	sld [smem:$0x3FA7]  }
0x29: {  	s4 =	sld [smem:$0x3FA9]  }
0x2a: {  	p0 =	seq.s32 s5, $0x0;
	s5 =	sld [smem:$0x3FAA]  }
0x2b: {  	s6 =	sld [smem:$0x3FAB]  }
0x2c: {  	s7 =	sld [smem:$0x3FAC]  }
0x2d: {  	s3 =	simm.s32 $0x108;
	s8 =	sld [smem:$0x3FAD]  }
0x2e: {  	s3 =	simm.s32 @!p0 $0x1082;
	s9 =	sld [smem:$0x3FAE]  }
0x2f: {  	lr =	sadd.s32 s0, s3;
	s0 =	sld [smem:$0x3FA5]  }
0x30: {  	s3 =	sld [smem:$0x3FA8]  }
0x31: {  	[smem:$0x3FB1] =	sst s10  }
0x32: {  	s10 =	sld [smem:$0x3FAF];
	_ =	sdelay $0x3  }
0x33: {  	p0 =	seq.s32 s10, $0x1;
	s10 =	sld [smem:$0x3FB1];
	_ =	sdelay $0x3  }
0x34: {  	[smem:$0x3FB1] =	sst s10  }
0x35: {  	s10 =	sld [smem:$0x3FB0];
	_ =	sdelay $0x3  }
0x36: {  	p1 =	seq.s32 s10, $0x1;
	s10 =	sld [smem:$0x3FB1];
	_ =	sdelay $0x3  }
0x37: {  	[smem:$0x3FB1] =	sst s10  }
0x38: {  	s10 =	sld [smem:$0x3FB2]  }
0x39: {  	_ = 	snop;
	(pc) =	sbr.ind lr, $3  }
0x3a: {  	_ = 	snop  }
0x3b: {  	_ = 	snop  }
0x3c: {  	p2 =	seq.s32 s10, $0x1;
	s10 =	sld [smem:$0x3FB1]  }
0x3d: {  	_ =	shalt  }
0x3e: {  	_ =	shalt  }
0x3f: {  	_ =	shalt  }
0x40: {  	_ =	shalt  }
0x41: {  	_ =	shalt  }
0x42: {  	_ =	shalt  }
0x43: {  	_ =	shalt  }
0x44: {  	_ =	shalt  }
0x45: {  	_ =	shalt  }
0x46: {  	_ =	shalt  }
0x47: {  	_ =	shalt  }
0x48: {  	_ =	shalt  }
0x49: {  	_ =	shalt  }
0x4a: {  	_ =	shalt  }
0x4b: {  	_ =	shalt  }
0x4c: {  	_ =	shalt  }
0x4d: {  	_ =	shalt  }
0x4e: {  	_ =	shalt  }
0x4f: {  	_ =	shalt  }
0x50: {  	_ =	shalt  }
0x51: {  	_ =	shalt  }
0x52: {  	_ =	shalt  }
0x53: {  	_ =	shalt  }
0x54: {  	_ =	shalt  }
0x55: {  	_ =	shalt  }
0x56: {  	_ =	shalt  }
0x57: {  	_ =	shalt  }
0x58: {  	_ =	shalt  }
0x59: {  	_ =	shalt  }
0x5a: {  	_ =	shalt  }
0x5b: {  	_ =	shalt  }
0x5c: {  	_ =	shalt  }
0x5d: {  	_ =	shalt  }
0x5e: {  	_ =	shalt  }
0x5f: {  	_ =	shalt  }
0x60: {  	_ =	shalt  }
0x61: {  	_ =	shalt  }
0x62: {  	_ =	shalt  }
0x63: {  	_ =	shalt  }
0x64: {  	_ =	shalt  }
0x65: {  	_ =	shalt  }
0x66: {  	_ =	shalt  }
0x67: {  	_ =	shalt  }
0x68: {  	_ =	shalt  }
0x69: {  	_ =	shalt  }
0x6a: {  	_ =	shalt  }
0x6b: {  	_ =	shalt  }
0x6c: {  	_ =	shalt  }
0x6d: {  	_ =	shalt  }
0x6e: {  	_ =	shalt  }
0x6f: {  	_ =	shalt  }
0x70: {  	_ =	shalt  }
0x71: {  	_ =	shalt  }
0x72: {  	_ =	shalt  }
0x73: {  	_ =	shalt  }
0x74: {  	_ =	shalt  }
0x75: {  	_ =	shalt  }
0x76: {  	_ =	shalt  }
0x77: {  	_ =	shalt  }
0x78: {  	_ =	shalt  }
0x79: {  	_ =	shalt  }
0x7a: {  	_ =	shalt  }
0x7b: {  	_ =	shalt  }
0x7c: {  	_ =	shalt  }
0x7d: {  	_ =	shalt  }
0x7e: {  	_ =	shalt  }
0x7f: {  	_ =	shalt  }
0x80: {  	_ =	shalt  }
0x81: {  	_ =	shalt  }
0x82: {  	_ =	shalt  }
0x83: {  	_ =	shalt  }
0x84: {  	_ =	shalt  }
0x85: {  	_ =	shalt  }
0x86: {  	_ =	shalt  }
0x87: {  	_ =	shalt  }
.Lfunc_end0:
.L_simem_size_0:
called_computation.3_lowered:
.L_overlay_start_0:
0x88: {  	s2 =	sld [smem:$0x3FD9]  }
0x89: {  	s3 =	sld [smem:$0x3FFE];
	_ =	sdelay $0x1  }
0x8a: {  	s1 =	srdreg.scid  }
0x8b: {  	s0 =	sand.u32 $0x1, s1  }
0x8c: {  	s14 =	sshll.u32 s0, $0xA;
	s2 =	sadd.s32 s3, s2  }
0x8d: {  	s2 =	sadd.s32 s2, s14  }
0x8e: {  	[smem:$0x3FBD] =	sst s2  }
0x8f: {  	_ = 	snop  }
0x90: {  	s2 =	sld [smem:$0x3FD0];
	_ =	sdelay $0x2  }
0x91: {  	s15 =	simm.s32 $0xA;
	s4 =	simm.s32 $0x10  }
0x92: {  	[smem:s4], [sflag:s15] =	dma.local [hbm:s2], $0x1  }
0x93: {  	_ =	swait.eq [sflag:s15], $0x1  }
0x94: {  	[sflag:s15] =	ssyncset.done $0x0  }
0x95: {  	[sflag:s15] =	ssyncadd.s32 $0xFFFFFFFF  }
0x96: {  	s16 =	sld [smem:$0x10];
	(tm) =	ssettm $0x1  }
0x97: {  	s17 =	sld [smem:$0x3FFB];
	_ =	sdelay $0x3  }
0x98: {  	_ =	strace s17  }
0x99: {  	s3 =	sld [smem:$0x3FFC];
	_ =	sdelay $0x3  }
0x9a: {  	_ =	strace s3  }
0x9b: {  	s3 =	sld [smem:$0x3FFD];
	_ =	sdelay $0x3  }
0x9c: {  	_ =	strace s3  }
0x9d: {  	_ =	strace $0x8FFFFFFF  }
0x9e: {  	s18 =	sld [smem:$0x3FDB];
	_ =	sdelay $0x1  }
0x9f: {  	s19 =	simm.s32 $_scs_section_size  }
0xa0: {  	s5 =	simm.s32 $_size__tile_overlayer_lowered;
	s6 =	simm.s32 $_tile_overlayer_lowered  }
0xa1: {  	s22 =	simm.s32 $0x1BFF;
	s21 =	sshll.u32 s6, $0x1;
	s3 =	sadd.s32 s19, s18  }
0xa2: {  	s7 =	simm.s32 $0x0;
	s20 =	sshll.u32 s5, $0x1;
	s5 =	sadd.s32 s21, s3  }
0xa3: {  	[timem:s7], [sflag:s22] =	dma.local [hbm:s5], s20  }
0xa4: {  	_ =	swait.ge [sflag:s22], s20  }
0xa5: {  	s4 =	ssub.s32 $0x0, s20;
	[sflag:s22] =	ssyncset.done $0x0  }
0xa6: {  	[sflag:s22] =	ssyncadd.s32 s4;
	_ =	sdelay $0x1  }
0xa7: {  	s23 =	simm.s32 $0x1B8B  }
0xa8: {  	_ =	swait.ge [sflag:s23], $0x1  }
0xa9: {  	[sflag:s23] =	ssyncset.done $0x0  }
0xaa: {  	s25 =	simm.s32 $0x1B8E;
	s24 =	sld [smem:$0x3FFE];
	[sflag:s23] =	ssyncadd.s32 $0xFFFFFFFF  }
0xab: {  	s26 =	simm.s32 $execute0_lowered;
	[smem:$0x3FD2] =	sst s25  }
0xac: {  	s5 =	sshll.u32 s26, $0x1;
	_ =	strace $0x8000004F;
	[dreg:$0x1] =	wrdreg $0xFFFFFFFF  }
0xad: {  	s28 =	simm.s32 $_size_execute0_lowered;
	s3 =	sadd.s32 s3, s5;
	[dreg:$0x0] =	wrdreg $0x0  }
0xae: {  	s5 =	sshll.u32 s28, $0x1;
	[dreg:$0x2] =	wrdreg s3  }
0xaf: {  	[dreg:$0x3] =	wrdreg s5  }
0xb0: {  	[dreg:$0x4] =	wrdreg $0xC0  }
0xb1: {  	_ =	task [dreg:s7], $0x5FFFF  }
0xb2: {  	[dreg:$0x1] =	wrdreg $0xFFFFFFFF  }
0xb3: {  	[dreg:$0x0] =	wrdreg $0x60  }
0xb4: {  	[dreg:$0x2] =	wrdreg s24  }
0xb5: {  	[dreg:$0x3] =	wrdreg s16  }
0xb6: {  	[dreg:$0x4] =	wrdreg $0x1A0000  }
0xb7: {  	[dreg:$0x5] =	wrdreg $0x9  }
0xb8: {  	_ =	task.clear_ibuf [dreg:s7], $0x6FFFF;
	_ =	strace $0x9000004F  }
0xb9: {  	s29 =	simm.s32 $0x9;
	_ =	strace $0x80000051  }
0xba: {  	_ =	swait.ge [sflag:s29], $0x1  }
0xbb: {  	[sflag:s29] =	ssyncadd.s32 $0xFFFFFFFF  }
0xbc: {  	_ =	strace $0x90000051  }
0xbd: {  	_ =	sfence  }
0xbe: {  	s30 =	sld [smem:$0x0];
	_ =	sdelay $0x2  }
0xbf: {  	s31 =	sshll.u32 s1, $0xD;
	s1 =	sshrl.u32 s1, $0x2  }
0xc0: {  	s3 =	sand.u32 $0x4000, s31;
	s1 =	sadd.s32 s1, s30  }
0xc1: {  	s0 =	sor.u32 s3, s0;
	s1 =	sshll.u32 s1, $0x11  }
0xc2: {  	s0 =	sor.u32 s1, s0  }
0xc3: {  	s0 =	sadd.s32 $0x8F2B, s0  }
0xc4: {  	[sflag:s0] =	ssyncadd.remote.s32 $0x1  }
0xc5: {  	_ =	sfence.sel $0xFFFF  }
0xc6: {  	[dreg:$0x0] =	wrdreg $0xFFFFFFFF;
	(pc) =	sbr.abs _section_cstart, $3  }
0xc7: {  	[dreg:$0x1] =	wrdreg $0xFFFFFFFF  }
0xc8: {  	_ =	task.clear_ibuf [dreg:s7], $0x2FFFF;
	_ =	strace $0x9FFFFFFF  }
0xc9: {  	(tm) =	ssettm $0x7FFFFFFF  }
tec
execute0_lowered:
.L_overlay_start_1:
0x0: {  	(tag) =	ssettag $0x1  }
0x1: {  	s5 =	rddreg [dreg:$0x0]  }
0x2: {  	s2 =	rddreg [dreg:$0x1]  }
0x3: {  	s3 =	rddreg [dreg:$0x2];
	s4 =	srdreg.scid  }
0x4: {  	s1 =	stileid.u32;
	s0 =	rddreg [dreg:$0x3];
	s14 =	simm.s32 $0x2  }
0x5: {  	s15 =	simm.s32 $0x2800;
	s16 =	simm.s32 $0x19000;
	s17 =	simm.s32 $0xA00  }
0x6: {  	s18 =	simm.s32 $0x5000;
	s19 =	simm.s32 $0x1;
	s20 =	simm.s32 $0x3200  }
0x7: {  	s21 =	simm.s32 $0x1400;
	s22 =	simm.s32 $0x3C00;
	s23 =	simm.s32 $0x1E00  }
0x8: {  	s24 =	simm.s32 $0x4600;
	s25 =	simm.s32 $0x0;
	s7 =	smul.u32 $0x5000, s1  }
0x9: {  	s6 =	sand.u32 $0x1, s4;
	s4 =	simm.s32 $0x0;
	s10 =	smul.u32 $0x14000, s1  }
0xa: {  	s8 =	sshll.u32 s6, $0x4;
	s9 =	smul.u32 $0x50000, s6;
	[smem:$0x7FF] =	sst s4  }
0xb: {  	s6 =	ssub.s32 $0x2, s6;
	s8 =	sor.u32 s1, s8;
	_ =	strace $0x80000050  }
0xc: {  	s30 =	sshrl.u32 s6, $0x1;
	s31 =	sshrl.u32 s10, $0x2;
	s8 =	smul.u32 $0x500, s8  }
0xd: {  	s9 =	sadd.s32 s7, s9;
	s13 =	ssub.s32 s6, s30;
	s11 =	sadd.s32 s31, s3  }
0xe: {  	s7 =	sadd.s32 s7, s3;
	s9 =	sshrl.u32 s9, $0x3;
	s10 =	sadd.s32 $0x3000, s11  }
0xf: {  	s13 =	smax.u32 s13, $0x1;
	s8 =	sadd.s32 s8, s5;
	s12 =	sadd.s32 s9, s5  }
0x10: {  	s9 =	sadd.s32 $0x2000, s11;
	s5 =	sadd.s32 $0xCA00, s8;
	s6 =	sadd.s32 $0x2A00, s8  }
0x11: {  	v0 =	vimm.f32 $0.0e+00;
	s8 =	sadd.s32 $0x1000, s11;
	s11 =	sadd.s32 $0x4000, s11;
	s12 =	sadd.s32 $0x66A00, s12  }
.LBB2_1:
0x12: {  	[tilespmem:s4], [sflag:$0x2] =	stream.linear.gather [hbm4b:s5+s4], $0x2800, $0x38;
	[tilespmem:$0x1F000] =	vst v63  }
0x13: {  	_ =	swait.ge [sflag:s14], $0x2800  }
0x14: {  	[sflag:s14] =	ssyncset.done $0x0  }
0x15: {  	[sflag:s14] =	ssyncadd.s32 $0xFFFFD800  }
0x16: {  	[tilespmem:s15], [sflag:$0x2] =	stream.linear.gather [hbm4b:s6+s4], $0x2800, $0x38;
	[tilespmem:$0x1F000] =	vst v63  }
0x17: {  	_ =	swait.ge [sflag:s14], $0x2800  }
0x18: {  	[sflag:s14] =	ssyncset.done $0x0  }
0x19: {  	s26 =	simm.s32 $0x80;
	s28 =	simm.s32 $0x0;
	[sflag:s14] =	ssyncadd.s32 $0xFFFFD800  }
.LBB2_2:
0x1a: {  	p0 =	sne.s32 s26, $0x3F80;
	[tilespmem:s28+$0x19000] =	vst v0;
	s29 =	smov.u32 s26;
	s26 =	sadd.s32 $0x80, s26  }
.Ltmp0:
0x1b: {  	[tilespmem:s28+$0x19010] =	vst v0;
	(pc) =	sbr.rel @p0 .LBB2_2-.Ltmp0, $2  }
0x1c: {  	_ =	sdelay $0x2  }
0x1d: {  	s28 =	sshra.s32 s29, $0x2  }
0x1e: {  	[tilespmem:s28+$0x19000] =	vst v0  }
0x1f: {  	[tilespmem:s28+$0x19010] =	vst v0  }
0x20: {  	[spmem:s7] =	stream.linear.scatter [tilespmem:s16], [sflag:$0x2], $0x1000, $0x38;
	[tilespmem:$0x1F000] =	vst v63  }
0x21: {  	_ =	swait.ge [sflag:s14], $0x1000  }
0x22: {  	[sflag:s14] =	ssyncset.done $0x0  }
0x23: {  	[sflag:s14] =	ssyncadd.s32 $0xFFFFF000  }
0x24: {  	[spmem:s8] =	stream.linear.scatter [tilespmem:s16], [sflag:$0x2], $0x1000, $0x38;
	[tilespmem:$0x1F000] =	vst v63  }
0x25: {  	_ =	swait.ge [sflag:s14], $0x1000  }
0x26: {  	[sflag:s14] =	ssyncset.done $0x0  }
0x27: {  	[sflag:s14] =	ssyncadd.s32 $0xFFFFF000  }
0x28: {  	[spmem:s9] =	stream.linear.scatter [tilespmem:s16], [sflag:$0x2], $0x1000, $0x38;
	[tilespmem:$0x1F000] =	vst v63  }
0x29: {  	_ =	swait.ge [sflag:s14], $0x1000  }
0x2a: {  	[sflag:s14] =	ssyncset.done $0x0  }
0x2b: {  	[sflag:s14] =	ssyncadd.s32 $0xFFFFF000  }
0x2c: {  	[spmem:s10] =	stream.linear.scatter [tilespmem:s16], [sflag:$0x2], $0x1000, $0x38;
	[tilespmem:$0x1F000] =	vst v63  }
0x2d: {  	_ =	swait.ge [sflag:s14], $0x1000  }
0x2e: {  	[sflag:s14] =	ssyncset.done $0x0  }
0x2f: {  	[sflag:s14] =	ssyncadd.s32 $0xFFFFF000  }
0x30: {  	[spmem:s11] =	stream.linear.scatter [tilespmem:s16], [sflag:$0x2], $0x1000, $0x38;
	[tilespmem:$0x1F000] =	vst v63  }
0x31: {  	_ =	swait.ge [sflag:s14], $0x1000  }
0x32: {  	[sflag:s14] =	ssyncset.done $0x0  }
0x33: {  	[sflag:s14] =	ssyncadd.s32 $0xFFFFF000  }
0x34: {  	[bflag:$0x0] =	sbarrier.arrive $0xFFFF  }
0x35: {  	[tilespmem:s18], [sflag:$0x1] =	stream.indirect.gather [hbm4b:s2+s17], $0x20, s4, s17, $0xb8;
	[tilespmem:$0x1F000] =	vst v63  }
0x36: {  	_ =	swait.ge [sflag:s19], $0x14000  }
0x37: {  	[sflag:s19] =	ssyncset.done $0x0  }
0x38: {  	[sflag:s19] =	ssyncadd.s32 $0xFFFEC000  }
0x39: {  	[spmem:s3] =	stream.indirect.scatter.add.f32 [tilespmem:s18], [sflag:$0x2], $0x20, s15, s17, $0xb8;
	[tilespmem:$0x1F000] =	vst v63  }
0x3a: {  	_ =	swait.ge [sflag:s14], $0x14000  }
0x3b: {  	[sflag:s14] =	ssyncset.done $0x0  }
0x3c: {  	[sflag:s14] =	ssyncadd.s32 $0xFFFEC000  }
0x3d: {  	[tilespmem:s18], [sflag:$0x1] =	stream.indirect.gather [hbm4b:s2+s17], $0x20, s17, s17, $0xb8;
	[tilespmem:$0x1F000] =	vst v63  }
0x3e: {  	_ =	swait.ge [sflag:s19], $0x14000  }
0x3f: {  	[sflag:s19] =	ssyncset.done $0x0  }
0x40: {  	[sflag:s19] =	ssyncadd.s32 $0xFFFEC000  }
0x41: {  	[spmem:s3] =	stream.indirect.scatter.add.f32 [tilespmem:s18], [sflag:$0x2], $0x20, s20, s17, $0xb8;
	[tilespmem:$0x1F000] =	vst v63  }
0x42: {  	_ =	swait.ge [sflag:s14], $0x14000  }
0x43: {  	[sflag:s14] =	ssyncset.done $0x0  }
0x44: {  	[sflag:s14] =	ssyncadd.s32 $0xFFFEC000  }
0x45: {  	[tilespmem:s18], [sflag:$0x1] =	stream.indirect.gather [hbm4b:s2+s17], $0x20, s21, s17, $0xb8;
	[tilespmem:$0x1F000] =	vst v63  }
0x46: {  	_ =	swait.ge [sflag:s19], $0x14000  }
0x47: {  	[sflag:s19] =	ssyncset.done $0x0  }
0x48: {  	[sflag:s19] =	ssyncadd.s32 $0xFFFEC000  }
0x49: {  	[spmem:s3] =	stream.indirect.scatter.add.f32 [tilespmem:s18], [sflag:$0x2], $0x20, s22, s17, $0xb8;
	[tilespmem:$0x1F000] =	vst v63  }
0x4a: {  	_ =	swait.ge [sflag:s14], $0x14000  }
0x4b: {  	[sflag:s14] =	ssyncset.done $0x0  }
0x4c: {  	[sflag:s14] =	ssyncadd.s32 $0xFFFEC000  }
0x4d: {  	[tilespmem:s18], [sflag:$0x1] =	stream.indirect.gather [hbm4b:s2+s17], $0x20, s23, s17, $0xb8;
	[tilespmem:$0x1F000] =	vst v63  }
0x4e: {  	_ =	swait.ge [sflag:s19], $0x14000  }
0x4f: {  	[sflag:s19] =	ssyncset.done $0x0  }
0x50: {  	[sflag:s19] =	ssyncadd.s32 $0xFFFEC000  }
0x51: {  	[spmem:s3] =	stream.indirect.scatter.add.f32 [tilespmem:s18], [sflag:$0x2], $0x20, s24, s17, $0xb8;
	[tilespmem:$0x1F000] =	vst v63  }
0x52: {  	_ =	swait.ge [sflag:s14], $0x14000  }
0x53: {  	s26 =	sshll.u32 s1, $0x6;
	s25 =	sadd.s32 $0x1, s25;
	[sflag:s14] =	ssyncset.done $0x0  }
0x54: {  	s31 =	sshrl.u32 s7, $0x3;
	p0 =	sne.s32 s25, s13;
	[sflag:s14] =	ssyncadd.s32 $0xFFFEC000  }
.Ltmp1:
0x55: {  	s26 =	sor.u32 $0x1C02, s26;
	[bflag:$0x0] =	sbarrier.arrive $0xFFFF;
	(pc) =	sbr.rel @p0 .LBB2_1-.Ltmp1, $4  }
0x56: {  	[hbm:s12], [sflag:s26] =	dma.local [spmem:s31], $0xA00  }
0x57: {  	_ =	swait.ge [sflag:s14], $0xA00  }
0x58: {  	[sflag:s14] =	ssyncset.done $0x0  }
0x59: {  	[sflag:s14] =	ssyncadd.s32 $0xFFFFF600  }
0x5a: {  	_ =	sfence.sel $0x180000  }
0x5b: {  	[bflag:$0x0] =	sbarrier.arrive $0xFFFF  }
0x5c: {  	p0 =	sne.s32 s1, $0x0;
	_ =	strace $0x90000050  }
0x5d: {  	s0 =	sadd.s32 @!p0 $0x100000, s0;
	[bflag:$0x2] =	sbarrier.arrive $0xFFFF  }
0x5e: {  	[sflag:s0] =	ssyncadd.tile.s32 @!p0 $0x1;
	_ =	shalt  }
.Lfunc_end2:
_tile_overlayer_lowered:
.L_overlay_start_2:
0x5f: {  	(tag) =	ssettag $0x2  }
0x60: {  	s0 =	rddreg [dreg:$0x0];
	s2 =	stileid.u32  }
0x61: {  	s1 =	rddreg [dreg:$0x1];
	p0 =	sne.s32 s2, $0x0  }
0x62: {  	s3 =	rddreg [dreg:$0x2];
	[bflag:$0x3] =	sbarrier.arrive $0xFFFF;
	s2 =	simm.s32 @!p0 $0x1C02  }
0x63: {  	[timem:s3], [sflag:s2] =	dma.local @!p0 [hbm:s0], s1  }
0x64: {  	s0 =	simm.s32 @!p0 $0x2  }
0x65: {  	_ =	swait.ge @!p0 [sflag:s0], s1  }
0x66: {  	s1 =	ssub.s32 @!p0 $0x0, s1;
	[sflag:s0] =	ssyncset.done @!p0 $0x0  }
0x67: {  	[sflag:s0] =	ssyncadd.s32 @!p0 s1  }
0x68: {  	[bflag:$0x3] =	sbarrier.arrive $0xFFFF  }
0x69: {  	_ =	shalt  }

</sc_bundles>
